<compile_context>
chip_gen: v7x
topology: tpu7x:2x2x1
jax: 0.10.2.dev20260603
libtpu: 0.0.44.dev20260713+nightly
codegen_flags: <defaults>
</compile_context>

<pallas_src>
import functools

import jax
import jax.numpy as jnp
from jax import lax
from jax.experimental import pallas as pl
from jax.experimental.pallas import tpu as pltpu
from jax.experimental.pallas import tpu_sc as plsc

B, D, C, K = 4096, 128, 100000, 50000
CP = 102400
R = CP // 128
KP = 50176
NW = 32
CHUNK = CP // NW
TCH = B // NW
CW = 3328
CBLK = 1024
KBLK = 512
DUMPW = KP
DUMPI = 53376
SUBN = DUMPI + CP
NQ = 5


def _nrm(x, eps):
    n = jnp.linalg.norm(x, ord=2, axis=-1, keepdims=True)
    return x / jnp.maximum(n, eps)


def _scores_body(tn_ref, wn_ref, te_ref, out_ref):
    i = pl.program_id(0)
    cos = lax.dot_general(tn_ref[...], wn_ref[...], (((1,), (1,)), ((), ())),
                          preferred_element_type=jnp.float32)
    ri = lax.broadcasted_iota(jnp.int32, (16, CBLK), 0)
    ci = lax.broadcasted_iota(jnp.int32, (16, CBLK), 1) + i * CBLK
    q = ri // 3
    kind = ri - q * 3
    chunk = (ci >> (4 * q)) & 15
    val = jnp.where(kind == 0, 1, jnp.where(kind == 1, chunk, chunk * chunk))
    val = jnp.where(ri >= 3 * NQ, 0, val).astype(jnp.float32)
    e2 = lax.dot_general(te_ref[...], val, (((1,), (0,)), ((), ())),
                         preferred_element_type=jnp.float32)
    out_ref[...] = jnp.where(jnp.max(e2, axis=0) == 0.0, 2.0,
                             jnp.max(cos, axis=0))


def _scores(tn, wn, tenc):
    return pl.pallas_call(
        _scores_body,
        grid=(98,),
        in_specs=[pl.BlockSpec((B, D), lambda i: (0, 0)),
                  pl.BlockSpec((CBLK, D), lambda i: (i, 0)),
                  pl.BlockSpec((B, 16), lambda i: (0, 0))],
        out_specs=pl.BlockSpec((CBLK,), lambda i: (i,)),
        out_shape=jax.ShapeDtypeStruct((CP,), jnp.float32),
    )(tn, wn, tenc)


def _target_enc(target):
    cols = []
    for q in range(NQ):
        t = ((target >> (4 * q)) & 15).astype(jnp.float32)
        cols += [-(t * t), 2.0 * t, -jnp.ones_like(t)]
    cols.append(jnp.zeros_like(cols[0]))
    return jnp.stack(cols, axis=1)


def _select_body(s_ref, sel_ref, pos_ref):
    s = s_ref[...]
    r = lax.broadcasted_iota(jnp.int32, (R, 128), 0)
    c = lax.broadcasted_iota(jnp.int32, (R, 128), 1)
    gi = r * 128 + c
    s = jnp.where(gi < C, s, -jnp.inf)
    u = lax.bitcast_convert_type(s, jnp.uint32)
    flip = jnp.where(u >= jnp.uint32(0x80000000),
                     jnp.uint32(0xFFFFFFFF), jnp.uint32(0x80000000))
    ku = u ^ flip

    def bit_step(it, t):
        cand = t | (jnp.uint32(0x80000000) >> it)
        cnt = jnp.sum((ku >= cand).astype(jnp.int32))
        return jnp.where(cnt >= K, cand, t)

    t = lax.fori_loop(0, 32, bit_step, jnp.uint32(0))

    gtb = ku > t
    eqb = ku == t
    gt = gtb.astype(jnp.float32)
    eq = eqb.astype(jnp.float32)
    need_eq = jnp.float32(K) - jnp.sum(gt)

    iu = lax.broadcasted_iota(jnp.int32, (128, 128), 0)
    ju = lax.broadcasted_iota(jnp.int32, (128, 128), 1)
    upper = (iu <= ju).astype(jnp.float32)
    ir = lax.broadcasted_iota(jnp.int32, (R, R), 0)
    jr = lax.broadcasted_iota(jnp.int32, (R, R), 1)
    lower = (ir > jr).astype(jnp.float32)

    def prefix(m):
        inrow = lax.dot_general(m, upper, (((1,), (0,)), ((), ())),
                                preferred_element_type=jnp.float32)
        rowtot = jnp.broadcast_to(jnp.sum(m, axis=1, keepdims=True), (R, 128))
        off = lax.dot_general(lower, rowtot, (((1,), (0,)), ((), ())),
                              preferred_element_type=jnp.float32)
        return off + inrow - m

    pgt = prefix(gt)
    peq = prefix(eq)
    seli = gtb | (eqb & (peq < need_eq))
    pos = pgt + jnp.minimum(peq, need_eq)
    sel_ref[...] = seli.astype(jnp.int32)
    pos_ref[...] = pos.astype(jnp.int32)


def _select(scores2):
    return pl.pallas_call(
        _select_body,
        out_shape=[jax.ShapeDtypeStruct((R, 128), jnp.int32),
                   jax.ShapeDtypeStruct((R, 128), jnp.int32)],
    )(scores2.reshape(R, 128))


def _stage_body(sel_hbm, pos_hbm, tgt_hbm, sub_hbm, ntgt_hbm,
                sel_v, pos_v, pix_v, gvl_v, tg_v, ntg_v, sem, sem2):
    wid = lax.axis_index("s") * 2 + lax.axis_index("c")
    base = wid * CHUNK
    pltpu.sync_copy(sel_hbm.at[pl.ds(base, CHUNK)], sel_v)
    pltpu.sync_copy(pos_hbm.at[pl.ds(base, CHUNK)], pos_v)
    lane = lax.iota(jnp.int32, 16)

    def bf(j, carry):
        s16 = sel_v[pl.ds(j * 16, 16)]
        p16 = pos_v[pl.ds(j * 16, 16)]
        g16 = base + j * 16 + lane
        pix_v[pl.ds(j * 16, 16)] = jnp.where(s16 > 0, p16, DUMPI + g16)
        gvl_v[pl.ds(j * 16, 16)] = g16
        return carry

    lax.fori_loop(0, CHUNK // 16, bf, 0)
    pltpu.async_copy(gvl_v, sub_hbm.at[pix_v], sem).wait()

    tb = wid * TCH
    pltpu.sync_copy(tgt_hbm.at[pl.ds(tb, TCH)], tg_v)
    pltpu.async_copy(pos_hbm.at[tg_v], ntg_v, sem2).wait()
    pltpu.sync_copy(ntg_v, ntgt_hbm.at[pl.ds(tb, TCH)])


KSL = KP // NW
SUBR = 112


def _gather_body(sub_hbm, w_hbm, wsub_hbm, idx_v, idx2_v, rows_v, sem):
    wid = lax.axis_index("s") * 2 + lax.axis_index("c")
    base = wid * KSL
    pltpu.sync_copy(sub_hbm.at[pl.ds(base, KSL)], idx_v)

    def clf(u2, carry):
        v = idx_v[pl.ds(u2 * 16, 16)]
        r = u2 // 7
        cb = (u2 - r * 7) * 16
        idx2_v[r, pl.ds(cb, 16)] = jnp.where((v >= 0) & (v < C), v, 0)
        return carry

    lax.fori_loop(0, KSL // 16, clf, 0)

    def df(k2, carry):
        pltpu.async_copy(w_hbm.at[idx2_v.at[k2]], rows_v, sem).wait()
        pltpu.sync_copy(rows_v, wsub_hbm.at[pl.ds(base + k2 * SUBR, SUBR)])
        return carry

    lax.fori_loop(0, KSL // SUBR, df, 0)


@functools.lru_cache(maxsize=None)
def _sc_kernels():
    mesh = plsc.VectorSubcoreMesh(core_axis_name="c", subcore_axis_name="s",
                                  num_cores=2, num_subcores=16)
    stage = pl.kernel(
        _stage_body,
        out_type=[jax.ShapeDtypeStruct((SUBN,), jnp.int32),
                  jax.ShapeDtypeStruct((B,), jnp.int32)],
        mesh=mesh,
        scratch_types=[pltpu.VMEM((CHUNK,), jnp.int32),
                       pltpu.VMEM((CHUNK,), jnp.int32),
                       pltpu.VMEM((CHUNK,), jnp.int32),
                       pltpu.VMEM((CHUNK,), jnp.int32),
                       pltpu.VMEM((TCH,), jnp.int32),
                       pltpu.VMEM((TCH,), jnp.int32),
                       pltpu.SemaphoreType.DMA,
                       pltpu.SemaphoreType.DMA],
    )
    gather = pl.kernel(
        _gather_body,
        out_type=jax.ShapeDtypeStruct((KP + 8, D), jnp.float32),
        mesh=mesh,
        scratch_types=[pltpu.VMEM((KSL,), jnp.int32),
                       pltpu.VMEM((KSL // SUBR, SUBR), jnp.int32),
                       pltpu.VMEM((SUBR, D), jnp.float32),
                       pltpu.SemaphoreType.DMA],
    )
    return stage, gather


def _logits_body(t2_ref, ws_ref, out_ref):
    w = ws_ref[...]
    n = jnp.sqrt(jnp.sum(w * w, axis=1, keepdims=True))
    w2 = w / jnp.maximum(n, 1e-12)
    a = t2_ref[...].astype(jnp.bfloat16)
    b2 = w2.astype(jnp.bfloat16)
    out_ref[...] = lax.dot_general(b2, a, (((1,), (1,)), ((), ())),
                                   preferred_element_type=jnp.float32)


def _logits(t2, wsub):
    return pl.pallas_call(
        _logits_body,
        grid=(KP // KBLK,),
        in_specs=[pl.BlockSpec((B, D), lambda i: (0, 0)),
                  pl.BlockSpec((KBLK, D), lambda i: (i, 0))],
        out_specs=pl.BlockSpec((KBLK, B), lambda i: (i, 0)),
        out_shape=jax.ShapeDtypeStruct((K, B), jnp.float32),
    )(t2, wsub)


def kernel(tensor, target, weight):
    eps1 = float(jnp.finfo(jnp.float32).eps)
    tn = _nrm(tensor, eps1)
    wn = _nrm(weight, eps1)
    t2 = _nrm(tensor, 1e-12)
    tenc = _target_enc(target)
    scores2 = _scores(tn, wn, tenc)
    sel, pos = _select(scores2)
    stage, gather = _sc_kernels()
    sub, ntgt = stage(sel.reshape(CP), pos.reshape(CP), target)
    wsub = gather(sub, weight)
    logits = _logits(t2, wsub).T
    return (logits, ntgt)

# --- scband reference (transcript-rebuilt; emitter-appended) ---
"""Pipeline reference for scband-head-with-target-mining-80796924772904 (READ-ONLY COPY).

The authoritative reference and input builder live on the scoring server;
editing this copy changes nothing except your own understanding.
"""

import jax, jax.numpy as jnp
import numpy as np
import math

B, D, C = 4096, 128, 100000
KEEP_RATIO = 0.5

def _normalize(x, eps):
    n = jnp.linalg.norm(x, ord=2, axis=-1, keepdims=True)
    return x / jnp.maximum(n, eps)

def setup_inputs(seed: int = 0) -> dict:
    key = jax.random.key(seed)
    k1, k2, k3 = jax.random.split(key, 3)
    tensor = jax.random.normal(k1, (B, D), dtype=jnp.float32)
    target = jax.random.randint(k2, (B,), 0, C, dtype=jnp.int32)
    # xavier_normal_ init: std = sqrt(2 / (fan_in + fan_out))
    std = math.sqrt(2.0 / (C + D))
    weight = jax.random.normal(k3, (C, D), dtype=jnp.float32) * std
    return {"tensor": tensor, "target": target, "weight": weight}

def reference(tensor, target, weight):
    eps = float(jnp.finfo(jnp.float32).eps)
    # --- mine_targets_by_distance (cosine); chunked scan collapses to one matmul, same math ---
    tn = _normalize(tensor, eps)
    wn = _normalize(weight, eps)
    cosine = tn @ wn.T                      # (B, C)
    scores = jnp.max(cosine, axis=0)        # (C,)
    # scatter 2.0 at unique ground-truth labels (duplicates write same value)
    scores = scores.at[target].set(2.0)
    K = max(1, int(C * KEEP_RATIO))
    _, topk_idx = jax.lax.top_k(scores, K)
    subsample = jnp.sort(topk_idx)          # (K,)
    # targets are guaranteed present in subsample (score 2.0 > all cosines), so
    # searchsorted on the sorted subsample equals the equality-argmax remap
    new_target = jnp.searchsorted(subsample, target).astype(target.dtype)
    # --- head forward ---
    w_sub = jnp.take(weight, subsample, axis=0)   # (K, D)
    t2 = _normalize(tensor, 1e-12)                # F.normalize default eps
    w2 = _normalize(w_sub, 1e-12)
    logits = t2 @ w2.T                            # (B, K)
    return (logits, new_target)

if __name__ == "__main__":
    import jax
    _d = setup_inputs()
    print(jax.jit(kernel)(*tuple(_d.values())))

</pallas_src>

<mosaic_0001>
#map = affine_map<(d0, d1) -> (0)>
#map1 = affine_map<(d0, d1) -> (0, 0)>
module attributes {stable_mosaic.version = 14 : i64} {
  func.func @_gather_body(%arg0: i32, %arg1: i32, %arg2: memref<155776xi32, #tpu.memory_space<hbm>>, %arg3: memref<100000x128xf32, #tpu.memory_space<hbm>>, %arg4: memref<50184x128xf32, #tpu.memory_space<hbm>>, %arg5: memref<1568xi32, #tpu.memory_space<vmem>>, %arg6: memref<14x112xi32, #tpu.memory_space<vmem>>, %arg7: memref<112x128xf32, #tpu.memory_space<vmem>>, %arg8: memref<!tpu.dma_semaphore, #tpu.memory_space<semaphore_mem>>) attributes {dimension_semantics = [#tpu.dimension_semantics<core_parallel>, #tpu.dimension_semantics<subcore_parallel>], iteration_bounds = array<i64: 2, 16>, scalar_prefetch = 0 : i64, scratch_operands = 4 : i64, tpu.core_type = #tpu.core_type<sc_vector_subcore>, window_params = [{transform_indices = #map}, {transform_indices = #map1}, {transform_indices = #map1}]} {
    %mul3A = arith.constant 2 : i32
    %mul3A_0 = arith.muli %arg1, %mul3A : i32
    %add3A = arith.addi %mul3A_0, %arg0 : i32
    %mul3A_1 = arith.constant 1568 : i32
    %mul3A_2 = arith.muli %add3A, %mul3A_1 : i32
    "tpu.region"() ({
      %run_scoped3A = tpu.sem_alloc : memref<!tpu.dma_semaphore, #tpu.memory_space<semaphore_mem>>
      %dma_start3A = tpu.memref_slice %arg2[%mul3A_2] : memref<155776xi32, #tpu.memory_space<hbm>> -> memref<1568xi32, #tpu.memory_space<hbm>>
      %dma_start3A_14 = tpu.memref_slice %arg2[%mul3A_2] : memref<155776xi32, #tpu.memory_space<hbm>> -> memref<1568xi32, #tpu.memory_space<hbm>>
      tpu.enqueue_dma source(%dma_start3A_14 : memref<1568xi32, #tpu.memory_space<hbm>>) target(%arg5 : memref<1568xi32, #tpu.memory_space<vmem>>) target_semaphore(%run_scoped3A : memref<!tpu.dma_semaphore, #tpu.memory_space<semaphore_mem>>)
      %dma_wait3A = tpu.memref_slice %arg2[%mul3A_2] : memref<155776xi32, #tpu.memory_space<hbm>> -> memref<1568xi32, #tpu.memory_space<hbm>>
      %dma_wait3A_15 = tpu.memref_slice %arg2[%mul3A_2] : memref<155776xi32, #tpu.memory_space<hbm>> -> memref<1568xi32, #tpu.memory_space<hbm>>
      tpu.wait_dma2 semaphore(%run_scoped3A : memref<!tpu.dma_semaphore, #tpu.memory_space<semaphore_mem>>) src(%dma_wait3A_15 : memref<1568xi32, #tpu.memory_space<hbm>>) dst(%arg5 : memref<1568xi32, #tpu.memory_space<vmem>>)
      tpu.yield
    }) : () -> ()
    %scan3A = arith.constant 0 : i32
    %scan3A_3 = arith.constant 0 : i32
    %scan3A_4 = arith.constant 98 : i32
    %scan3A_5 = arith.addi %scan3A_3, %scan3A_4 : i32
    %scan3A_6 = arith.constant 1 : i32
    scf.for %scan3A_14 = %scan3A_3 to %scan3A_5 step %scan3A_6  : i32 {
      %mul3A_15 = arith.constant 16 : i32
      %mul3A_16 = arith.muli %scan3A_14, %mul3A_15 : i32
      %get3A = arith.index_cast %mul3A_16 : i32 to index
      %get3A_17 = tpu.vector_load %arg5[%get3A] {strides = array<i32>} : memref<1568xi32, #tpu.memory_space<vmem>>, vector<16xi32>,
      %get3A_18 = vector.shape_cast %get3A_17 : vector<16xi32> to vector<16xi32>
      %jit3A = arith.constant 7 : i32
      %div3A = arith.divsi %scan3A_14, %jit3A : i32
      %sign3A = arith.constant 0 : i32
      %sign3A_19 = arith.cmpi sgt, %scan3A_14, %sign3A : i32
      %sign3A_20 = arith.extui %sign3A_19 : i1 to i32
      %sign3A_21 = arith.constant 0 : i32
      %sign3A_22 = arith.cmpi slt, %scan3A_14, %sign3A_21 : i32
      %sign3A_23 = arith.extui %sign3A_22 : i1 to i32
      %sign3A_24 = arith.subi %sign3A_20, %sign3A_23 : i32
      %sign3A_25 = arith.constant 0 : i32
      %sign3A_26 = arith.cmpi sgt, %jit3A, %sign3A_25 : i32
      %sign3A_27 = arith.extui %sign3A_26 : i1 to i32
      %sign3A_28 = arith.constant 0 : i32
      %sign3A_29 = arith.cmpi slt, %jit3A, %sign3A_28 : i32
      %sign3A_30 = arith.extui %sign3A_29 : i1 to i32
      %sign3A_31 = arith.subi %sign3A_27, %sign3A_30 : i32
      %ne3A = arith.cmpi ne, %sign3A_24, %sign3A_31 : i32
      %rem3A = arith.remsi %scan3A_14, %jit3A : i32
      %ne3A_32 = arith.constant 0 : i32
      %ne3A_33 = arith.cmpi ne, %rem3A, %ne3A_32 : i32
      %and3A = arith.andi %ne3A, %ne3A_33 : i1
      %sub3A = arith.constant 1 : i32
      %sub3A_34 = arith.subi %div3A, %sub3A : i32
      %select_n3A = arith.select %and3A, %sub3A_34, %div3A : i32
      %mul3A_35 = arith.constant 7 : i32
      %mul3A_36 = arith.muli %select_n3A, %mul3A_35 : i32
      %sub3A_37 = arith.subi %scan3A_14, %mul3A_36 : i32
      %mul3A_38 = arith.constant 16 : i32
      %mul3A_39 = arith.muli %sub3A_37, %mul3A_38 : i32
      %ge3A = arith.constant 0 : i32
      %ge3A_40 = vector.broadcast %ge3A : i32 to vector<16xi32>
      %ge3A_41 = arith.cmpi sge, %get3A_18, %ge3A_40 : vector<16xi32>
      %lt3A = arith.constant 100000 : i32
      %lt3A_42 = vector.broadcast %lt3A : i32 to vector<16xi32>
      %lt3A_43 = arith.cmpi slt, %get3A_18, %lt3A_42 : vector<16xi32>
      %and3A_44 = arith.andi %ge3A_41, %lt3A_43 : vector<16xi1>
      %jit3A_45 = arith.constant 0 : i32
      %broadcast_in_dim3A = vector.broadcast %jit3A_45 : i32 to vector<16xi32>
      %select_n3A_46 = arith.select %and3A_44, %get3A_18, %broadcast_in_dim3A : vector<16xi1>, vector<16xi32>
      %swap3A = arith.index_cast %select_n3A : i32 to index
      %swap3A_47 = arith.index_cast %mul3A_39 : i32 to index
      %swap3A_48 = tpu.vector_load %arg6[%swap3A, %swap3A_47] {strides = array<i32>} : memref<14x112xi32, #tpu.memory_space<vmem>>, vector<1x16xi32>,
      %swap3A_49 = vector.shape_cast %swap3A_48 : vector<1x16xi32> to vector<16xi32>
      %swap3A_50 = vector.shape_cast %select_n3A_46 : vector<16xi32> to vector<1x16xi32>
      tpu.vector_store %arg6[%swap3A, %swap3A_47], %swap3A_50 {strides = array<i32>} : memref<14x112xi32, #tpu.memory_space<vmem>>, vector<1x16xi32>,
    }
    %scan3A_7 = arith.constant 98 : i32
    %scan3A_8 = arith.constant 0 : i32
    %scan3A_9 = arith.constant 0 : i32
    %scan3A_10 = arith.constant 14 : i32
    %scan3A_11 = arith.addi %scan3A_9, %scan3A_10 : i32
    %scan3A_12 = arith.constant 1 : i32
    scf.for %scan3A_14 = %scan3A_9 to %scan3A_11 step %scan3A_12  : i32 {
      %dma_start3A = arith.constant 0 : i32
      %dma_start3A_15 = tpu.memref_slice %arg6[%scan3A_14, %dma_start3A] : memref<14x112xi32, #tpu.memory_space<vmem>> -> memref<1x112xi32, #tpu.memory_space<vmem>>
      %dma_start3A_16 = tpu.memref_squeeze %dma_start3A_15 : memref<1x112xi32, #tpu.memory_space<vmem>> -> memref<112xi32, #tpu.memory_space<vmem>>
      %dma_start3A_17 = arith.constant 0 : i32
      %dma_start3A_18 = arith.constant 0 : i32
      %dma_start3A_19 = tpu.memref_slice %arg3[%dma_start3A_17, %dma_start3A_18] : memref<100000x128xf32, #tpu.memory_space<hbm>> -> memref<100000x128xf32, #tpu.memory_space<hbm>>
      tpu.enqueue_indirect_dma source(%dma_start3A_19 : memref<100000x128xf32, #tpu.memory_space<hbm>>) target(%arg7 : memref<112x128xf32, #tpu.memory_space<vmem>>) offsets(%dma_start3A_16 : memref<112xi32, #tpu.memory_space<vmem>>) semaphore(%arg8 : memref<!tpu.dma_semaphore, #tpu.memory_space<semaphore_mem>>)
      %dma_wait3A = arith.constant 0 : i32
      %dma_wait3A_20 = tpu.memref_slice %arg6[%scan3A_14, %dma_wait3A] : memref<14x112xi32, #tpu.memory_space<vmem>> -> memref<1x112xi32, #tpu.memory_space<vmem>>
      %dma_wait3A_21 = tpu.memref_squeeze %dma_wait3A_20 : memref<1x112xi32, #tpu.memory_space<vmem>> -> memref<112xi32, #tpu.memory_space<vmem>>
      %dma_wait3A_22 = arith.constant 0 : i32
      %dma_wait3A_23 = arith.constant 0 : i32
      %dma_wait3A_24 = tpu.memref_slice %arg3[%dma_wait3A_22, %dma_wait3A_23] : memref<100000x128xf32, #tpu.memory_space<hbm>> -> memref<100000x128xf32, #tpu.memory_space<hbm>>
      tpu.wait_indirect_dma semaphore(%arg8 : memref<!tpu.dma_semaphore, #tpu.memory_space<semaphore_mem>>) src(%dma_wait3A_24 : memref<100000x128xf32, #tpu.memory_space<hbm>>) dst(%arg7 : memref<112x128xf32, #tpu.memory_space<vmem>>)
      %mul3A_25 = arith.constant 112 : i32
      %mul3A_26 = arith.muli %scan3A_14, %mul3A_25 : i32
      %add3A_27 = arith.addi %mul3A_2, %mul3A_26 : i32
      "tpu.region"() ({
        %run_scoped3A = tpu.sem_alloc : memref<!tpu.dma_semaphore, #tpu.memory_space<semaphore_mem>>
        %dma_start3A_28 = arith.constant 0 : i32
        %dma_start3A_29 = tpu.memref_slice %arg4[%add3A_27, %dma_start3A_28] : memref<50184x128xf32, #tpu.memory_space<hbm>> -> memref<112x128xf32, #tpu.memory_space<hbm>>
        %dma_start3A_30 = arith.constant 0 : i32
        %dma_start3A_31 = tpu.memref_slice %arg4[%add3A_27, %dma_start3A_30] : memref<50184x128xf32, #tpu.memory_space<hbm>> -> memref<112x128xf32, #tpu.memory_space<hbm>>
        tpu.enqueue_dma source(%arg7 : memref<112x128xf32, #tpu.memory_space<vmem>>) target(%dma_start3A_31 : memref<112x128xf32, #tpu.memory_space<hbm>>) target_semaphore(%run_scoped3A : memref<!tpu.dma_semaphore, #tpu.memory_space<semaphore_mem>>)
        %dma_wait3A_32 = arith.constant 0 : i32
        %dma_wait3A_33 = tpu.memref_slice %arg4[%add3A_27, %dma_wait3A_32] : memref<50184x128xf32, #tpu.memory_space<hbm>> -> memref<112x128xf32, #tpu.memory_space<hbm>>
        %dma_wait3A_34 = arith.constant 0 : i32
        %dma_wait3A_35 = tpu.memref_slice %arg4[%add3A_27, %dma_wait3A_34] : memref<50184x128xf32, #tpu.memory_space<hbm>> -> memref<112x128xf32, #tpu.memory_space<hbm>>
        tpu.wait_dma2 semaphore(%run_scoped3A : memref<!tpu.dma_semaphore, #tpu.memory_space<semaphore_mem>>) src(%arg7 : memref<112x128xf32, #tpu.memory_space<vmem>>) dst(%dma_wait3A_35 : memref<112x128xf32, #tpu.memory_space<hbm>>)
        tpu.yield
      }) : () -> ()
    }
    %scan3A_13 = arith.constant 14 : i32
    return
  }
}

#map = affine_map<(d0, d1) -> (0)>
module attributes {stable_mosaic.version = 14 : i64} {
  func.func @_stage_body(%arg0: i32, %arg1: i32, %arg2: memref<102400xi32, #tpu.memory_space<hbm>>, %arg3: memref<102400xi32, #tpu.memory_space<hbm>>, %arg4: memref<4096xi32, #tpu.memory_space<hbm>>, %arg5: memref<155776xi32, #tpu.memory_space<hbm>>, %arg6: memref<4096xi32, #tpu.memory_space<hbm>>, %arg7: memref<3200xi32, #tpu.memory_space<vmem>>, %arg8: memref<3200xi32, #tpu.memory_space<vmem>>, %arg9: memref<3200xi32, #tpu.memory_space<vmem>>, %arg10: memref<3200xi32, #tpu.memory_space<vmem>>, %arg11: memref<128xi32, #tpu.memory_space<vmem>>, %arg12: memref<128xi32, #tpu.memory_space<vmem>>, %arg13: memref<!tpu.dma_semaphore, #tpu.memory_space<semaphore_mem>>, %arg14: memref<!tpu.dma_semaphore, #tpu.memory_space<semaphore_mem>>) attributes {dimension_semantics = [#tpu.dimension_semantics<core_parallel>, #tpu.dimension_semantics<subcore_parallel>], iteration_bounds = array<i64: 2, 16>, scalar_prefetch = 0 : i64, scratch_operands = 8 : i64, tpu.core_type = #tpu.core_type<sc_vector_subcore>, window_params = [{transform_indices = #map}, {transform_indices = #map}, {transform_indices = #map}, {transform_indices = #map}, {transform_indices = #map}]} {
    %mul3A = arith.constant 2 : i32
    %mul3A_0 = arith.muli %arg1, %mul3A : i32
    %add3A = arith.addi %mul3A_0, %arg0 : i32
    %mul3A_1 = arith.constant 3200 : i32
    %mul3A_2 = arith.muli %add3A, %mul3A_1 : i32
    "tpu.region"() ({
      %run_scoped3A = tpu.sem_alloc : memref<!tpu.dma_semaphore, #tpu.memory_space<semaphore_mem>>
      %dma_start3A_16 = tpu.memref_slice %arg2[%mul3A_2] : memref<102400xi32, #tpu.memory_space<hbm>> -> memref<3200xi32, #tpu.memory_space<hbm>>
      %dma_start3A_17 = tpu.memref_slice %arg2[%mul3A_2] : memref<102400xi32, #tpu.memory_space<hbm>> -> memref<3200xi32, #tpu.memory_space<hbm>>
      tpu.enqueue_dma source(%dma_start3A_17 : memref<3200xi32, #tpu.memory_space<hbm>>) target(%arg7 : memref<3200xi32, #tpu.memory_space<vmem>>) target_semaphore(%run_scoped3A : memref<!tpu.dma_semaphore, #tpu.memory_space<semaphore_mem>>)
      %dma_wait3A_18 = tpu.memref_slice %arg2[%mul3A_2] : memref<102400xi32, #tpu.memory_space<hbm>> -> memref<3200xi32, #tpu.memory_space<hbm>>
      %dma_wait3A_19 = tpu.memref_slice %arg2[%mul3A_2] : memref<102400xi32, #tpu.memory_space<hbm>> -> memref<3200xi32, #tpu.memory_space<hbm>>
      tpu.wait_dma2 semaphore(%run_scoped3A : memref<!tpu.dma_semaphore, #tpu.memory_space<semaphore_mem>>) src(%dma_wait3A_19 : memref<3200xi32, #tpu.memory_space<hbm>>) dst(%arg7 : memref<3200xi32, #tpu.memory_space<vmem>>)
      tpu.yield
    }) : () -> ()
    "tpu.region"() ({
      %run_scoped3A = tpu.sem_alloc : memref<!tpu.dma_semaphore, #tpu.memory_space<semaphore_mem>>
      %dma_start3A_16 = tpu.memref_slice %arg3[%mul3A_2] : memref<102400xi32, #tpu.memory_space<hbm>> -> memref<3200xi32, #tpu.memory_space<hbm>>
      %dma_start3A_17 = tpu.memref_slice %arg3[%mul3A_2] : memref<102400xi32, #tpu.memory_space<hbm>> -> memref<3200xi32, #tpu.memory_space<hbm>>
      tpu.enqueue_dma source(%dma_start3A_17 : memref<3200xi32, #tpu.memory_space<hbm>>) target(%arg8 : memref<3200xi32, #tpu.memory_space<vmem>>) target_semaphore(%run_scoped3A : memref<!tpu.dma_semaphore, #tpu.memory_space<semaphore_mem>>)
      %dma_wait3A_18 = tpu.memref_slice %arg3[%mul3A_2] : memref<102400xi32, #tpu.memory_space<hbm>> -> memref<3200xi32, #tpu.memory_space<hbm>>
      %dma_wait3A_19 = tpu.memref_slice %arg3[%mul3A_2] : memref<102400xi32, #tpu.memory_space<hbm>> -> memref<3200xi32, #tpu.memory_space<hbm>>
      tpu.wait_dma2 semaphore(%run_scoped3A : memref<!tpu.dma_semaphore, #tpu.memory_space<semaphore_mem>>) src(%dma_wait3A_19 : memref<3200xi32, #tpu.memory_space<hbm>>) dst(%arg8 : memref<3200xi32, #tpu.memory_space<vmem>>)
      tpu.yield
    }) : () -> ()
    %iota3A = tpu.iota {dimensions = array<i32: 0>} : vector<16xi32>
    %scan3A = arith.constant 0 : i32
    %scan3A_3 = arith.constant 0 : i32
    %scan3A_4 = arith.constant 200 : i32
    %scan3A_5 = arith.addi %scan3A_3, %scan3A_4 : i32
    %scan3A_6 = arith.constant 1 : i32
    scf.for %scan3A_16 = %scan3A_3 to %scan3A_5 step %scan3A_6  : i32 {
      %mul3A_17 = arith.constant 16 : i32
      %mul3A_18 = arith.muli %scan3A_16, %mul3A_17 : i32
      %get3A = arith.index_cast %mul3A_18 : i32 to index
      %get3A_19 = tpu.vector_load %arg7[%get3A] {strides = array<i32>} : memref<3200xi32, #tpu.memory_space<vmem>>, vector<16xi32>,
      %get3A_20 = vector.shape_cast %get3A_19 : vector<16xi32> to vector<16xi32>
      %mul3A_21 = arith.constant 16 : i32
      %mul3A_22 = arith.muli %scan3A_16, %mul3A_21 : i32
      %get3A_23 = arith.index_cast %mul3A_22 : i32 to index
      %get3A_24 = tpu.vector_load %arg8[%get3A_23] {strides = array<i32>} : memref<3200xi32, #tpu.memory_space<vmem>>, vector<16xi32>,
      %get3A_25 = vector.shape_cast %get3A_24 : vector<16xi32> to vector<16xi32>
      %mul3A_26 = arith.constant 16 : i32
      %mul3A_27 = arith.muli %scan3A_16, %mul3A_26 : i32
      %add3A_28 = arith.addi %mul3A_2, %mul3A_27 : i32
      %add3A_29 = vector.broadcast %add3A_28 : i32 to vector<16xi32>
      %add3A_30 = arith.addi %add3A_29, %iota3A : vector<16xi32>
      %gt3A = arith.constant 0 : i32
      %gt3A_31 = vector.broadcast %gt3A : i32 to vector<16xi32>
      %gt3A_32 = arith.cmpi sgt, %get3A_20, %gt3A_31 : vector<16xi32>
      %add3A_33 = arith.constant 53376 : i32
      %add3A_34 = vector.broadcast %add3A_33 : i32 to vector<16xi32>
      %add3A_35 = arith.addi %add3A_34, %add3A_30 : vector<16xi32>
      %select_n3A = arith.select %gt3A_32, %get3A_25, %add3A_35 : vector<16xi1>, vector<16xi32>
      %mul3A_36 = arith.constant 16 : i32
      %mul3A_37 = arith.muli %scan3A_16, %mul3A_36 : i32
      %swap3A = arith.index_cast %mul3A_37 : i32 to index
      %swap3A_38 = tpu.vector_load %arg9[%swap3A] {strides = array<i32>} : memref<3200xi32, #tpu.memory_space<vmem>>, vector<16xi32>,
      %swap3A_39 = vector.shape_cast %swap3A_38 : vector<16xi32> to vector<16xi32>
      %swap3A_40 = vector.shape_cast %select_n3A : vector<16xi32> to vector<16xi32>
      tpu.vector_store %arg9[%swap3A], %swap3A_40 {strides = array<i32>} : memref<3200xi32, #tpu.memory_space<vmem>>, vector<16xi32>,
      %mul3A_41 = arith.constant 16 : i32
      %mul3A_42 = arith.muli %scan3A_16, %mul3A_41 : i32
      %swap3A_43 = arith.index_cast %mul3A_42 : i32 to index
      %swap3A_44 = tpu.vector_load %arg10[%swap3A_43] {strides = array<i32>} : memref<3200xi32, #tpu.memory_space<vmem>>, vector<16xi32>,
      %swap3A_45 = vector.shape_cast %swap3A_44 : vector<16xi32> to vector<16xi32>
      %swap3A_46 = vector.shape_cast %add3A_30 : vector<16xi32> to vector<16xi32>
      tpu.vector_store %arg10[%swap3A_43], %swap3A_46 {strides = array<i32>} : memref<3200xi32, #tpu.memory_space<vmem>>, vector<16xi32>,
    }
    %scan3A_7 = arith.constant 200 : i32
    %dma_start3A = arith.constant 0 : i32
    %dma_start3A_8 = tpu.memref_slice %arg5[%dma_start3A] : memref<155776xi32, #tpu.memory_space<hbm>> -> memref<155776xi32, #tpu.memory_space<hbm>>
    tpu.enqueue_indirect_dma source(%arg10 : memref<3200xi32, #tpu.memory_space<vmem>>) target(%dma_start3A_8 : memref<155776xi32, #tpu.memory_space<hbm>>) offsets(%arg9 : memref<3200xi32, #tpu.memory_space<vmem>>) semaphore(%arg13 : memref<!tpu.dma_semaphore, #tpu.memory_space<semaphore_mem>>)
    %dma_wait3A = arith.constant 0 : i32
    %dma_wait3A_9 = tpu.memref_slice %arg5[%dma_wait3A] : memref<155776xi32, #tpu.memory_space<hbm>> -> memref<155776xi32, #tpu.memory_space<hbm>>
    tpu.wait_indirect_dma semaphore(%arg13 : memref<!tpu.dma_semaphore, #tpu.memory_space<semaphore_mem>>) src(%arg10 : memref<3200xi32, #tpu.memory_space<vmem>>) dst(%dma_wait3A_9 : memref<155776xi32, #tpu.memory_space<hbm>>)
    %mul3A_10 = arith.constant 128 : i32
    %mul3A_11 = arith.muli %add3A, %mul3A_10 : i32
    "tpu.region"() ({
      %run_scoped3A = tpu.sem_alloc : memref<!tpu.dma_semaphore, #tpu.memory_space<semaphore_mem>>
      %dma_start3A_16 = tpu.memref_slice %arg4[%mul3A_11] : memref<4096xi32, #tpu.memory_space<hbm>> -> memref<128xi32, #tpu.memory_space<hbm>>
      %dma_start3A_17 = tpu.memref_slice %arg4[%mul3A_11] : memref<4096xi32, #tpu.memory_space<hbm>> -> memref<128xi32, #tpu.memory_space<hbm>>
      tpu.enqueue_dma source(%dma_start3A_17 : memref<128xi32, #tpu.memory_space<hbm>>) target(%arg11 : memref<128xi32, #tpu.memory_space<vmem>>) target_semaphore(%run_scoped3A : memref<!tpu.dma_semaphore, #tpu.memory_space<semaphore_mem>>)
      %dma_wait3A_18 = tpu.memref_slice %arg4[%mul3A_11] : memref<4096xi32, #tpu.memory_space<hbm>> -> memref<128xi32, #tpu.memory_space<hbm>>
      %dma_wait3A_19 = tpu.memref_slice %arg4[%mul3A_11] : memref<4096xi32, #tpu.memory_space<hbm>> -> memref<128xi32, #tpu.memory_space<hbm>>
      tpu.wait_dma2 semaphore(%run_scoped3A : memref<!tpu.dma_semaphore, #tpu.memory_space<semaphore_mem>>) src(%dma_wait3A_19 : memref<128xi32, #tpu.memory_space<hbm>>) dst(%arg11 : memref<128xi32, #tpu.memory_space<vmem>>)
      tpu.yield
    }) : () -> ()
    %dma_start3A_12 = arith.constant 0 : i32
    %dma_start3A_13 = tpu.memref_slice %arg3[%dma_start3A_12] : memref<102400xi32, #tpu.memory_space<hbm>> -> memref<102400xi32, #tpu.memory_space<hbm>>
    tpu.enqueue_indirect_dma source(%dma_start3A_13 : memref<102400xi32, #tpu.memory_space<hbm>>) target(%arg12 : memref<128xi32, #tpu.memory_space<vmem>>) offsets(%arg11 : memref<128xi32, #tpu.memory_space<vmem>>) semaphore(%arg14 : memref<!tpu.dma_semaphore, #tpu.memory_space<semaphore_mem>>)
    %dma_wait3A_14 = arith.constant 0 : i32
    %dma_wait3A_15 = tpu.memref_slice %arg3[%dma_wait3A_14] : memref<102400xi32, #tpu.memory_space<hbm>> -> memref<102400xi32, #tpu.memory_space<hbm>>
    tpu.wait_indirect_dma semaphore(%arg14 : memref<!tpu.dma_semaphore, #tpu.memory_space<semaphore_mem>>) src(%dma_wait3A_15 : memref<102400xi32, #tpu.memory_space<hbm>>) dst(%arg12 : memref<128xi32, #tpu.memory_space<vmem>>)
    "tpu.region"() ({
      %run_scoped3A = tpu.sem_alloc : memref<!tpu.dma_semaphore, #tpu.memory_space<semaphore_mem>>
      %dma_start3A_16 = tpu.memref_slice %arg6[%mul3A_11] : memref<4096xi32, #tpu.memory_space<hbm>> -> memref<128xi32, #tpu.memory_space<hbm>>
      %dma_start3A_17 = tpu.memref_slice %arg6[%mul3A_11] : memref<4096xi32, #tpu.memory_space<hbm>> -> memref<128xi32, #tpu.memory_space<hbm>>
      tpu.enqueue_dma source(%arg12 : memref<128xi32, #tpu.memory_space<vmem>>) target(%dma_start3A_17 : memref<128xi32, #tpu.memory_space<hbm>>) target_semaphore(%run_scoped3A : memref<!tpu.dma_semaphore, #tpu.memory_space<semaphore_mem>>)
      %dma_wait3A_18 = tpu.memref_slice %arg6[%mul3A_11] : memref<4096xi32, #tpu.memory_space<hbm>> -> memref<128xi32, #tpu.memory_space<hbm>>
      %dma_wait3A_19 = tpu.memref_slice %arg6[%mul3A_11] : memref<4096xi32, #tpu.memory_space<hbm>> -> memref<128xi32, #tpu.memory_space<hbm>>
      tpu.wait_dma2 semaphore(%run_scoped3A : memref<!tpu.dma_semaphore, #tpu.memory_space<semaphore_mem>>) src(%arg12 : memref<128xi32, #tpu.memory_space<vmem>>) dst(%dma_wait3A_19 : memref<128xi32, #tpu.memory_space<hbm>>)
      tpu.yield
    }) : () -> ()
    return
  }
}

module attributes {stable_mosaic.version = 14 : i64} {
  func.func @_scores_body(%arg0: i32, %arg1: memref<4096x128xf32, #tpu.memory_space<vmem>>, %arg2: memref<1024x128xf32, #tpu.memory_space<vmem>>, %arg3: memref<4096x16xf32, #tpu.memory_space<vmem>>, %arg4: memref<1024xf32, #tpu.memory_space<vmem>>) attributes {dimension_semantics = [#tpu.dimension_semantics<arbitrary>], iteration_bounds = array<i64: 98>, scalar_prefetch = 0 : i64, scratch_operands = 0 : i64, tpu.core_type = #tpu.core_type<tc>, window_params = [{pipeline_mode = #tpu.pipeline_mode<synchronous>, transform_indices = @transform_0, window_bounds = array<i64: 4096, 128>}, {transform_indices = @transform_1, window_bounds = array<i64: 1024, 128>}, {pipeline_mode = #tpu.pipeline_mode<synchronous>, transform_indices = @transform_2, window_bounds = array<i64: 4096, 16>}, {transform_indices = @transform_3, window_bounds = array<i64: 1024>}]} {
    %get3A = arith.constant 0 : index
    %get3A_0 = arith.constant 0 : index
    %get3A_1 = vector.load %arg1[%get3A, %get3A_0] : memref<4096x128xf32, #tpu.memory_space<vmem>>, vector<4096x128xf32>
    %get3A_2 = arith.constant 0 : index
    %get3A_3 = arith.constant 0 : index
    %get3A_4 = vector.load %arg2[%get3A_2, %get3A_3] : memref<1024x128xf32, #tpu.memory_space<vmem>>, vector<1024x128xf32>
    %dot_general3A = arith.constant dense<0.000000e+00> : vector<4096x1024xf32>
    %dot_general3A_5 = tpu.matmul %get3A_1, %get3A_4, %dot_general3A {dimension_numbers = #tpu.dot_dimension_numbers<[1], [1], [0], [0], [0, 0, 1, 0], [], []>, transpose_lhs_hint = false} : vector<4096x128xf32>, vector<1024x128xf32>, vector<4096x1024xf32> -> vector<4096x1024xf32>
    %iota3A = tpu.iota {dimensions = array<i32: 0>} : vector<16x1024xi32>
    %iota3A_6 = tpu.iota {dimensions = array<i32: 1>} : vector<16x1024xi32>
    %mul3A = arith.constant 1024 : i32
    %mul3A_7 = arith.muli %arg0, %mul3A : i32
    %add3A = vector.broadcast %mul3A_7 : i32 to vector<16x1024xi32>
    %add3A_8 = arith.addi %iota3A_6, %add3A : vector<16x1024xi32>
    %jit3A = arith.constant 3 : i32
    %div3A = vector.broadcast %jit3A : i32 to vector<16x1024xi32>
    %div3A_9 = arith.divsi %iota3A, %div3A : vector<16x1024xi32>
    %sign3A = arith.constant 0 : i32
    %sign3A_10 = vector.broadcast %sign3A : i32 to vector<16x1024xi32>
    %sign3A_11 = arith.cmpi sgt, %iota3A, %sign3A_10 : vector<16x1024xi32>
    %sign3A_12 = arith.extui %sign3A_11 : vector<16x1024xi1> to vector<16x1024xi32>
    %sign3A_13 = arith.constant 0 : i32
    %sign3A_14 = vector.broadcast %sign3A_13 : i32 to vector<16x1024xi32>
    %sign3A_15 = arith.cmpi slt, %iota3A, %sign3A_14 : vector<16x1024xi32>
    %sign3A_16 = arith.extui %sign3A_15 : vector<16x1024xi1> to vector<16x1024xi32>
    %sign3A_17 = arith.subi %sign3A_12, %sign3A_16 : vector<16x1024xi32>
    %sign3A_18 = arith.constant 0 : i32
    %sign3A_19 = arith.cmpi sgt, %jit3A, %sign3A_18 : i32
    %sign3A_20 = arith.extui %sign3A_19 : i1 to i32
    %sign3A_21 = arith.constant 0 : i32
    %sign3A_22 = arith.cmpi slt, %jit3A, %sign3A_21 : i32
    %sign3A_23 = arith.extui %sign3A_22 : i1 to i32
    %sign3A_24 = arith.subi %sign3A_20, %sign3A_23 : i32
    %ne3A = vector.broadcast %sign3A_24 : i32 to vector<16x1024xi32>
    %ne3A_25 = arith.cmpi ne, %sign3A_17, %ne3A : vector<16x1024xi32>
    %rem3A = vector.broadcast %jit3A : i32 to vector<16x1024xi32>
    %rem3A_26 = arith.remsi %iota3A, %rem3A : vector<16x1024xi32>
    %ne3A_27 = arith.constant 0 : i32
    %ne3A_28 = vector.broadcast %ne3A_27 : i32 to vector<16x1024xi32>
    %ne3A_29 = arith.cmpi ne, %rem3A_26, %ne3A_28 : vector<16x1024xi32>
    %and3A = arith.andi %ne3A_25, %ne3A_29 : vector<16x1024xi1>
    %sub3A = arith.constant 1 : i32
    %sub3A_30 = vector.broadcast %sub3A : i32 to vector<16x1024xi32>
    %sub3A_31 = arith.subi %div3A_9, %sub3A_30 : vector<16x1024xi32>
    %select_n3A = arith.select %and3A, %sub3A_31, %div3A_9 : vector<16x1024xi1>, vector<16x1024xi32>
    %mul3A_32 = arith.constant 3 : i32
    %mul3A_33 = vector.broadcast %mul3A_32 : i32 to vector<16x1024xi32>
    %mul3A_34 = arith.muli %select_n3A, %mul3A_33 : vector<16x1024xi32>
    %sub3A_35 = arith.subi %iota3A, %mul3A_34 : vector<16x1024xi32>
    %mul3A_36 = arith.constant 4 : i32
    %mul3A_37 = vector.broadcast %mul3A_36 : i32 to vector<16x1024xi32>
    %mul3A_38 = arith.muli %mul3A_37, %select_n3A : vector<16x1024xi32>
    %shift_right_arithmetic3A = arith.shrsi %add3A_8, %mul3A_38 : vector<16x1024xi32>
    %and3A_39 = arith.constant 15 : i32
    %and3A_40 = vector.broadcast %and3A_39 : i32 to vector<16x1024xi32>
    %and3A_41 = arith.andi %shift_right_arithmetic3A, %and3A_40 : vector<16x1024xi32>
    %eq3A = arith.constant 0 : i32
    %eq3A_42 = vector.broadcast %eq3A : i32 to vector<16x1024xi32>
    %eq3A_43 = arith.cmpi eq, %sub3A_35, %eq3A_42 : vector<16x1024xi32>
    %eq3A_44 = arith.constant 1 : i32
    %eq3A_45 = vector.broadcast %eq3A_44 : i32 to vector<16x1024xi32>
    %eq3A_46 = arith.cmpi eq, %sub3A_35, %eq3A_45 : vector<16x1024xi32>
    %mul3A_47 = arith.muli %and3A_41, %and3A_41 : vector<16x1024xi32>
    %select_n3A_48 = arith.select %eq3A_46, %and3A_41, %mul3A_47 : vector<16x1024xi1>, vector<16x1024xi32>
    %jit3A_49 = arith.constant 1 : i32
    %broadcast_in_dim3A = vector.broadcast %jit3A_49 : i32 to vector<16x1024xi32>
    %select_n3A_50 = arith.select %eq3A_43, %broadcast_in_dim3A, %select_n3A_48 : vector<16x1024xi1>, vector<16x1024xi32>
    %ge3A = arith.constant 15 : i32
    %ge3A_51 = vector.broadcast %ge3A : i32 to vector<16x1024xi32>
    %ge3A_52 = arith.cmpi sge, %iota3A, %ge3A_51 : vector<16x1024xi32>
    %jit3A_53 = arith.constant 0 : i32
    %broadcast_in_dim3A_54 = vector.broadcast %jit3A_53 : i32 to vector<16x1024xi32>
    %select_n3A_55 = arith.select %ge3A_52, %broadcast_in_dim3A_54, %select_n3A_50 : vector<16x1024xi1>, vector<16x1024xi32>
    %convert_element_type3A = arith.sitofp %select_n3A_55 : vector<16x1024xi32> to vector<16x1024xf32>
    %get3A_56 = arith.constant 0 : index
    %get3A_57 = arith.constant 0 : index
    %get3A_58 = vector.load %arg3[%get3A_56, %get3A_57] : memref<4096x16xf32, #tpu.memory_space<vmem>>, vector<4096x16xf32>
    %dot_general3A_59 = arith.constant dense<0.000000e+00> : vector<4096x1024xf32>
    %dot_general3A_60 = tpu.matmul %get3A_58, %convert_element_type3A, %dot_general3A_59 {dimension_numbers = #tpu.dot_dimension_numbers<[1], [0], [0], [1], [0, 0, 1, 1], [], []>, transpose_lhs_hint = false} : vector<4096x16xf32>, vector<16x1024xf32>, vector<4096x1024xf32> -> vector<4096x1024xf32>
    %reduce_max3A = arith.constant dense<0xFF800000> : vector<1024xf32>
    %reduce_max3A_61 = vector.multi_reduction <maximumf>, %dot_general3A_60, %reduce_max3A [0] : vector<4096x1024xf32> to vector<1024xf32>
    %eq3A_62 = arith.constant 0.000000e+00 : f32
    %eq3A_63 = vector.broadcast %eq3A_62 : f32 to vector<1024xf32>
    %eq3A_64 = arith.cmpf oeq, %reduce_max3A_61, %eq3A_63 : vector<1024xf32>
    %reduce_max3A_65 = arith.constant dense<0xFF800000> : vector<1024xf32>
    %reduce_max3A_66 = vector.multi_reduction <maximumf>, %dot_general3A_5, %reduce_max3A_65 [0] : vector<4096x1024xf32> to vector<1024xf32>
    %jit3A_67 = arith.constant 2.000000e+00 : f32
    %broadcast_in_dim3A_68 = vector.broadcast %jit3A_67 : f32 to vector<1024xf32>
    %select_n3A_69 = arith.select %eq3A_64, %broadcast_in_dim3A_68, %reduce_max3A_66 : vector<1024xi1>, vector<1024xf32>
    %swap3A = arith.constant 0 : index
    %swap3A_70 = vector.load %arg4[%swap3A] : memref<1024xf32, #tpu.memory_space<vmem>>, vector<1024xf32>
    tpu.vector_store %arg4[%swap3A], %select_n3A_69 {strides = array<i32>} : memref<1024xf32, #tpu.memory_space<vmem>>, vector<1024xf32>,
    return
  }
  func.func @transform_0(%arg0: i32) -> (i32, i32) {
    %c0_i32 = arith.constant 0 : i32
    %c0_i32_0 = arith.constant 0 : i32
    %c0_i32_1 = arith.constant 0 : i32
    return %c0_i32, %c0_i32_0 : i32, i32
  }
  func.func @transform_1(%arg0: i32) -> (i32, i32) {
    %c0_i32 = arith.constant 0 : i32
    %c0_i32_0 = arith.constant 0 : i32
    return %arg0, %c0_i32 : i32, i32
  }
  func.func @transform_2(%arg0: i32) -> (i32, i32) {
    %c0_i32 = arith.constant 0 : i32
    %c0_i32_0 = arith.constant 0 : i32
    %c0_i32_1 = arith.constant 0 : i32
    return %c0_i32, %c0_i32_0 : i32, i32
  }
  func.func @transform_3(%arg0: i32) -> i32 {
    %c0_i32 = arith.constant 0 : i32
    return %arg0 : i32
  }
}

module attributes {stable_mosaic.version = 14 : i64} {
  func.func @_select_body(%arg0: memref<800x128xf32, #tpu.memory_space<vmem>>, %arg1: memref<800x128xi32, #tpu.memory_space<vmem>>, %arg2: memref<800x128xi32, #tpu.memory_space<vmem>>) attributes {dimension_semantics = [], scalar_prefetch = 0 : i64, scratch_operands = 0 : i64, tpu.core_type = #tpu.core_type<tc>} {
    %get3A = arith.constant 0 : index
    %get3A_0 = arith.constant 0 : index
    %get3A_1 = vector.load %arg0[%get3A, %get3A_0] : memref<800x128xf32, #tpu.memory_space<vmem>>, vector<800x128xf32>
    %iota3A = tpu.iota {dimensions = array<i32: 0>} : vector<800x128xi32>
    %iota3A_2 = tpu.iota {dimensions = array<i32: 1>} : vector<800x128xi32>
    %mul3A = arith.constant 128 : i32
    %mul3A_3 = vector.broadcast %mul3A : i32 to vector<800x128xi32>
    %mul3A_4 = arith.muli %iota3A, %mul3A_3 : vector<800x128xi32>
    %add3A = arith.addi %mul3A_4, %iota3A_2 : vector<800x128xi32>
    %lt3A = arith.constant 100000 : i32
    %lt3A_5 = vector.broadcast %lt3A : i32 to vector<800x128xi32>
    %lt3A_6 = arith.cmpi slt, %add3A, %lt3A_5 : vector<800x128xi32>
    %jit3A = arith.constant 0xFF800000 : f32
    %broadcast_in_dim3A = vector.broadcast %jit3A : f32 to vector<800x128xf32>
    %select_n3A = arith.select %lt3A_6, %get3A_1, %broadcast_in_dim3A : vector<800x128xi1>, vector<800x128xf32>
    %bitcast_convert_type3A = tpu.bitcast %select_n3A : vector<800x128xf32> -> vector<800x128xi32>
    %ge3A = arith.constant -2147483648 : i32
    %ge3A_7 = vector.broadcast %ge3A : i32 to vector<800x128xi32>
    %ge3A_8 = arith.cmpi uge, %bitcast_convert_type3A, %ge3A_7 : vector<800x128xi32>
    %jit3A_9 = arith.constant -1 : i32
    %jit3A_10 = arith.constant -2147483648 : i32
    %broadcast_in_dim3A_11 = vector.broadcast %jit3A_9 : i32 to vector<800x128xi32>
    %broadcast_in_dim3A_12 = vector.broadcast %jit3A_10 : i32 to vector<800x128xi32>
    %select_n3A_13 = arith.select %ge3A_8, %broadcast_in_dim3A_11, %broadcast_in_dim3A_12 : vector<800x128xi1>, vector<800x128xi32>
    %xor3A = arith.xori %bitcast_convert_type3A, %select_n3A_13 : vector<800x128xi32>
    %scan3A = arith.constant 0 : i32
    %scan3A_14 = arith.constant 0 : i32
    %scan3A_15 = arith.constant 32 : i32
    %scan3A_16 = arith.addi %scan3A_14, %scan3A_15 : i32
    %scan3A_17 = arith.constant 1 : i32
    %scan3A_18 = scf.for %scan3A_71 = %scan3A_14 to %scan3A_16 step %scan3A_17 iter_args(%scan3A_72 = %scan3A) -> (i32)  : i32 {
      %shift_right_logical3A = arith.constant -2147483648 : i32
      %shift_right_logical3A_73 = arith.shrui %shift_right_logical3A, %scan3A_71 : i32
      %or3A_74 = arith.ori %scan3A_72, %shift_right_logical3A_73 : i32
      %ge3A_75 = vector.broadcast %or3A_74 : i32 to vector<800x128xi32>
      %ge3A_76 = arith.cmpi uge, %xor3A, %ge3A_75 : vector<800x128xi32>
      %convert_element_type3A_77 = arith.extui %ge3A_76 : vector<800x128xi1> to vector<800x128xi32>
      %reduce_sum3A_78 = vector.shape_cast %convert_element_type3A_77 : vector<800x128xi32> to vector<1x800x128xi32>
      %reduce_sum3A_79 = arith.constant dense<0> : vector<1xi32>
      %reduce_sum3A_80 = vector.multi_reduction <add>, %reduce_sum3A_78, %reduce_sum3A_79 [1, 2] : vector<1x800x128xi32> to vector<1xi32>
      %reduce_sum3A_81 = vector.shape_cast %reduce_sum3A_80 : vector<1xi32> to vector<1x1x1xi32>
      %reduce_sum3A_82 = vector.extract %reduce_sum3A_81[0, 0, 0] : i32 from vector<1x1x1xi32>
      %ge3A_83 = arith.constant 50000 : i32
      %ge3A_84 = arith.cmpi sge, %reduce_sum3A_82, %ge3A_83 : i32
      %select_n3A_85 = arith.select %ge3A_84, %or3A_74, %scan3A_72 : i32
      scf.yield %select_n3A_85 : i32
    }
    %scan3A_19 = arith.constant 32 : i32
    %gt3A = vector.broadcast %scan3A_18 : i32 to vector<800x128xi32>
    %gt3A_20 = arith.cmpi ugt, %xor3A, %gt3A : vector<800x128xi32>
    %eq3A = vector.broadcast %scan3A_18 : i32 to vector<800x128xi32>
    %eq3A_21 = arith.cmpi eq, %xor3A, %eq3A : vector<800x128xi32>
    %convert_element_type3A = arith.extui %gt3A_20 : vector<800x128xi1> to vector<800x128xi32>
    %convert_element_type3A_22 = arith.sitofp %convert_element_type3A : vector<800x128xi32> to vector<800x128xf32>
    %convert_element_type3A_23 = arith.extui %eq3A_21 : vector<800x128xi1> to vector<800x128xi32>
    %convert_element_type3A_24 = arith.sitofp %convert_element_type3A_23 : vector<800x128xi32> to vector<800x128xf32>
    %reduce_sum3A = vector.shape_cast %convert_element_type3A_22 : vector<800x128xf32> to vector<1x800x128xf32>
    %reduce_sum3A_25 = arith.constant dense<0.000000e+00> : vector<1xf32>
    %reduce_sum3A_26 = vector.multi_reduction <add>, %reduce_sum3A, %reduce_sum3A_25 [1, 2] : vector<1x800x128xf32> to vector<1xf32>
    %reduce_sum3A_27 = vector.shape_cast %reduce_sum3A_26 : vector<1xf32> to vector<1x1x1xf32>
    %reduce_sum3A_28 = vector.extract %reduce_sum3A_27[0, 0, 0] : f32 from vector<1x1x1xf32>
    %sub3A = arith.constant 5.000000e+04 : f32
    %sub3A_29 = arith.subf %sub3A, %reduce_sum3A_28 : f32
    %iota3A_30 = tpu.iota {dimensions = array<i32: 0>} : vector<128x128xi32>
    %iota3A_31 = tpu.iota {dimensions = array<i32: 1>} : vector<128x128xi32>
    %le3A = arith.cmpi sle, %iota3A_30, %iota3A_31 : vector<128x128xi32>
    %convert_element_type3A_32 = arith.extui %le3A : vector<128x128xi1> to vector<128x128xi32>
    %convert_element_type3A_33 = arith.sitofp %convert_element_type3A_32 : vector<128x128xi32> to vector<128x128xf32>
    %iota3A_34 = tpu.iota {dimensions = array<i32: 0>} : vector<800x800xi32>
    %iota3A_35 = tpu.iota {dimensions = array<i32: 1>} : vector<800x800xi32>
    %gt3A_36 = arith.cmpi sgt, %iota3A_34, %iota3A_35 : vector<800x800xi32>
    %convert_element_type3A_37 = arith.extui %gt3A_36 : vector<800x800xi1> to vector<800x800xi32>
    %convert_element_type3A_38 = arith.sitofp %convert_element_type3A_37 : vector<800x800xi32> to vector<800x800xf32>
    %dot_general3A = arith.constant dense<0.000000e+00> : vector<800x128xf32>
    %dot_general3A_39 = tpu.matmul %convert_element_type3A_22, %convert_element_type3A_33, %dot_general3A {dimension_numbers = #tpu.dot_dimension_numbers<[1], [0], [0], [1], [0, 0, 1, 1], [], []>, transpose_lhs_hint = false} : vector<800x128xf32>, vector<128x128xf32>, vector<800x128xf32> -> vector<800x128xf32>
    %reduce_sum3A_40 = arith.constant dense<0.000000e+00> : vector<800xf32>
    %reduce_sum3A_41 = vector.multi_reduction <add>, %convert_element_type3A_22, %reduce_sum3A_40 [1] : vector<800x128xf32> to vector<800xf32>
    %broadcast_in_dim3A_42 = vector.shape_cast %reduce_sum3A_41 : vector<800xf32> to vector<800x1xf32>
    %broadcast_in_dim3A_43 = vector.shape_cast %broadcast_in_dim3A_42 : vector<800x1xf32> to vector<800x1xf32>
    %broadcast_in_dim3A_44 = vector.broadcast %broadcast_in_dim3A_43 : vector<800x1xf32> to vector<800x128xf32>
    %dot_general3A_45 = arith.constant dense<0.000000e+00> : vector<800x128xf32>
    %dot_general3A_46 = tpu.matmul %convert_element_type3A_38, %broadcast_in_dim3A_44, %dot_general3A_45 {dimension_numbers = #tpu.dot_dimension_numbers<[1], [0], [0], [1], [0, 0, 1, 1], [], []>, transpose_lhs_hint = false} : vector<800x800xf32>, vector<800x128xf32>, vector<800x128xf32> -> vector<800x128xf32>
    %add3A_47 = arith.addf %dot_general3A_46, %dot_general3A_39 : vector<800x128xf32>
    %sub3A_48 = arith.subf %add3A_47, %convert_element_type3A_22 : vector<800x128xf32>
    %dot_general3A_49 = arith.constant dense<0.000000e+00> : vector<800x128xf32>
    %dot_general3A_50 = tpu.matmul %convert_element_type3A_24, %convert_element_type3A_33, %dot_general3A_49 {dimension_numbers = #tpu.dot_dimension_numbers<[1], [0], [0], [1], [0, 0, 1, 1], [], []>, transpose_lhs_hint = false} : vector<800x128xf32>, vector<128x128xf32>, vector<800x128xf32> -> vector<800x128xf32>
    %reduce_sum3A_51 = arith.constant dense<0.000000e+00> : vector<800xf32>
    %reduce_sum3A_52 = vector.multi_reduction <add>, %convert_element_type3A_24, %reduce_sum3A_51 [1] : vector<800x128xf32> to vector<800xf32>
    %broadcast_in_dim3A_53 = vector.shape_cast %reduce_sum3A_52 : vector<800xf32> to vector<800x1xf32>
    %broadcast_in_dim3A_54 = vector.shape_cast %broadcast_in_dim3A_53 : vector<800x1xf32> to vector<800x1xf32>
    %broadcast_in_dim3A_55 = vector.broadcast %broadcast_in_dim3A_54 : vector<800x1xf32> to vector<800x128xf32>
    %dot_general3A_56 = arith.constant dense<0.000000e+00> : vector<800x128xf32>
    %dot_general3A_57 = tpu.matmul %convert_element_type3A_38, %broadcast_in_dim3A_55, %dot_general3A_56 {dimension_numbers = #tpu.dot_dimension_numbers<[1], [0], [0], [1], [0, 0, 1, 1], [], []>, transpose_lhs_hint = false} : vector<800x800xf32>, vector<800x128xf32>, vector<800x128xf32> -> vector<800x128xf32>
    %add3A_58 = arith.addf %dot_general3A_57, %dot_general3A_50 : vector<800x128xf32>
    %sub3A_59 = arith.subf %add3A_58, %convert_element_type3A_24 : vector<800x128xf32>
    %lt3A_60 = vector.broadcast %sub3A_29 : f32 to vector<800x128xf32>
    %lt3A_61 = arith.cmpf olt, %sub3A_59, %lt3A_60 : vector<800x128xf32>
    %and3A = arith.andi %eq3A_21, %lt3A_61 : vector<800x128xi1>
    %or3A = arith.ori %gt3A_20, %and3A : vector<800x128xi1>
    %min3A = vector.broadcast %sub3A_29 : f32 to vector<800x128xf32>
    %min3A_62 = arith.minimumf %sub3A_59, %min3A : vector<800x128xf32>
    %add3A_63 = arith.addf %sub3A_48, %min3A_62 : vector<800x128xf32>
    %convert_element_type3A_64 = arith.extui %or3A : vector<800x128xi1> to vector<800x128xi32>
    %swap3A = arith.constant 0 : index
    %swap3A_65 = arith.constant 0 : index
    %swap3A_66 = vector.load %arg1[%swap3A, %swap3A_65] : memref<800x128xi32, #tpu.memory_space<vmem>>, vector<800x128xi32>
    tpu.vector_store %arg1[%swap3A, %swap3A_65], %convert_element_type3A_64 {strides = array<i32>} : memref<800x128xi32, #tpu.memory_space<vmem>>, vector<800x128xi32>,
    %convert_element_type3A_67 = arith.fptosi %add3A_63 : vector<800x128xf32> to vector<800x128xi32>
    %swap3A_68 = arith.constant 0 : index
    %swap3A_69 = arith.constant 0 : index
    %swap3A_70 = vector.load %arg2[%swap3A_68, %swap3A_69] : memref<800x128xi32, #tpu.memory_space<vmem>>, vector<800x128xi32>
    tpu.vector_store %arg2[%swap3A_68, %swap3A_69], %convert_element_type3A_67 {strides = array<i32>} : memref<800x128xi32, #tpu.memory_space<vmem>>, vector<800x128xi32>,
    return
  }
}

module attributes {stable_mosaic.version = 14 : i64} {
  func.func @_logits_body(%arg0: i32, %arg1: memref<4096x128xf32, #tpu.memory_space<vmem>>, %arg2: memref<512x128xf32, #tpu.memory_space<vmem>>, %arg3: memref<512x4096xf32, #tpu.memory_space<vmem>>) attributes {dimension_semantics = [#tpu.dimension_semantics<arbitrary>], iteration_bounds = array<i64: 98>, scalar_prefetch = 0 : i64, scratch_operands = 0 : i64, tpu.core_type = #tpu.core_type<tc>, window_params = [{pipeline_mode = #tpu.pipeline_mode<synchronous>, transform_indices = @transform_0, window_bounds = array<i64: 4096, 128>}, {transform_indices = @transform_1, window_bounds = array<i64: 512, 128>}, {transform_indices = @transform_2, window_bounds = array<i64: 512, 4096>}]} {
    %get3A = arith.constant 0 : index
    %get3A_0 = arith.constant 0 : index
    %get3A_1 = vector.load %arg2[%get3A, %get3A_0] : memref<512x128xf32, #tpu.memory_space<vmem>>, vector<512x128xf32>
    %mul3A = arith.mulf %get3A_1, %get3A_1 : vector<512x128xf32>
    %reduce_sum3A = arith.constant dense<0.000000e+00> : vector<512xf32>
    %reduce_sum3A_2 = vector.multi_reduction <add>, %mul3A, %reduce_sum3A [1] : vector<512x128xf32> to vector<512xf32>
    %broadcast_in_dim3A = vector.shape_cast %reduce_sum3A_2 : vector<512xf32> to vector<512x1xf32>
    %sqrt3A = math.sqrt %broadcast_in_dim3A : vector<512x1xf32>
    %max3A = arith.constant 9.99999996E-13 : f32
    %max3A_3 = vector.broadcast %max3A : f32 to vector<512x1xf32>
    %max3A_4 = arith.maximumf %sqrt3A, %max3A_3 : vector<512x1xf32>
    %div3A = vector.broadcast %max3A_4 : vector<512x1xf32> to vector<512x128xf32>
    %div3A_5 = arith.divf %get3A_1, %div3A : vector<512x128xf32>
    %get3A_6 = arith.constant 0 : index
    %get3A_7 = arith.constant 0 : index
    %get3A_8 = vector.load %arg1[%get3A_6, %get3A_7] : memref<4096x128xf32, #tpu.memory_space<vmem>>, vector<4096x128xf32>
    %convert_element_type3A = arith.truncf %get3A_8 : vector<4096x128xf32> to vector<4096x128xbf16>
    %convert_element_type3A_9 = arith.truncf %div3A_5 : vector<512x128xf32> to vector<512x128xbf16>
    %dot_general3A = arith.constant dense<0.000000e+00> : vector<512x4096xf32>
    %dot_general3A_10 = tpu.matmul %convert_element_type3A_9, %convert_element_type3A, %dot_general3A {dimension_numbers = #tpu.dot_dimension_numbers<[1], [1], [0], [0], [0, 0, 1, 0], [], []>, transpose_lhs_hint = false} : vector<512x128xbf16>, vector<4096x128xbf16>, vector<512x4096xf32> -> vector<512x4096xf32>
    %swap3A = arith.constant 0 : index
    %swap3A_11 = arith.constant 0 : index
    %swap3A_12 = vector.load %arg3[%swap3A, %swap3A_11] : memref<512x4096xf32, #tpu.memory_space<vmem>>, vector<512x4096xf32>
    tpu.vector_store %arg3[%swap3A, %swap3A_11], %dot_general3A_10 {strides = array<i32>} : memref<512x4096xf32, #tpu.memory_space<vmem>>, vector<512x4096xf32>,
    return
  }
  func.func @transform_0(%arg0: i32) -> (i32, i32) {
    %c0_i32 = arith.constant 0 : i32
    %c0_i32_0 = arith.constant 0 : i32
    %c0_i32_1 = arith.constant 0 : i32
    return %c0_i32, %c0_i32_0 : i32, i32
  }
  func.func @transform_1(%arg0: i32) -> (i32, i32) {
    %c0_i32 = arith.constant 0 : i32
    %c0_i32_0 = arith.constant 0 : i32
    return %arg0, %c0_i32 : i32, i32
  }
  func.func @transform_2(%arg0: i32) -> (i32, i32) {
    %c0_i32 = arith.constant 0 : i32
    %c0_i32_0 = arith.constant 0 : i32
    return %arg0, %c0_i32 : i32, i32
  }
}

</mosaic_0001>

<sc_bundles>
// kernel: kernel.10.cloned.1.call-start
scs
__scs_entry_jumppad:
0x0: {  	(pc) =	sbr.rel $0x88, $3  }
0x1: {  	(tag) =	ssettag $0x0;
	lr =	simm.s32 $0x1  }
0x2: {  	[smem:$0x3F9E] =	sst lr;
	_ =	strace $0xD0000000  }
0x3: {  	_ = 	snop  }
0x4: {  	_ = 	snop  }
0x5: {  	_ = 	snop  }
0x6: {  	_ = 	snop  }
0x7: {  	_ = 	snop  }
__scs_overlays_trampoline_lowered:
0x8: {  	[smem:$0x3FAD] =	sst s0  }
0x9: {  	[smem:$0x3FAE] =	sst s1  }
0xa: {  	[smem:$0x3FAF] =	sst s2  }
0xb: {  	[smem:$0x3FB0] =	sst s3  }
0xc: {  	[smem:$0x3FB1] =	sst s4  }
0xd: {  	[smem:$0x3FB2] =	sst s5  }
0xe: {  	[smem:$0x3FB3] =	sst s6  }
0xf: {  	[smem:$0x3FB4] =	sst s7  }
0x10: {  	[smem:$0x3FB5] =	sst s8  }
0x11: {  	[smem:$0x3FB6] =	sst s9;
	s0 =	simm.s32 @!p0 $0x0  }
0x12: {  	s1 =	sld [smem:$0x3F9C];
	s0 =	simm.s32 @p0 $0x1  }
0x13: {  	[smem:$0x3FB7] =	sst s0;
	s0 =	simm.s32 @!p1 $0x0  }
0x14: {  	s2 =	sld [smem:$0x3F9B];
	s0 =	simm.s32 @p1 $0x1  }
0x15: {  	[smem:$0x3FB8] =	sst s0;
	s0 =	simm.s32 @!p2 $0x0  }
0x16: {  	s3 =	sld [smem:$0x3FDB];
	s0 =	simm.s32 @p2 $0x1  }
0x17: {  	s4 =	simm.s32 $0x1BF5;
	[smem:$0x3FBA] =	sst s0  }
0x18: {  	s0 =	sld [smem:$0x3F9D];
	_ =	swait.ge [sflag:s4], $0x0  }
0x19: {  	s7 =	sld [smem:$0x3F9E]  }
0x1a: {  	s8 =	sadd.s32 $0xFFFFE003, lr  }
0x1b: {  	s9 =	sadd.s32 $0xFFFFFEF7, lr;
	s5 =	simm.s32 $0xFFFFFFFF;
	p2 =	slt.u32 s8, $0xFFFFF086  }
0x1c: {  	p1 =	slt.u32 s9, $0xF7A;
	s5 =	simm.s32 @!p2 $0x0  }
0x1d: {  	s5 =	simm.s32 @p1 $0x1;
	p0 =	seq.s32 s7, s2  }
0x1e: {  	s7 =	smul.u32 @!p0 $0xF7A, s2;
	p2 =	seq.s32 @!p0 s5, $0x0  }
0x1f: {  	s9 =	smul.u32 $0xF7A, s1;
	s8 =	simm.s32 @!p0 $0x1BF5;
	p2 =	por !p2, p0  }
0x20: {  	[sflag:s8] =	ssyncset.s32 @!p0 $0xFFFFF086;
	s6 =	sadd.s32 @!p0 s3, s7;
	s7 =	simm.s32 @!p0 $0x108  }
0x21: {  	s3 =	sadd.s32 s3, s9;
	s6 =	sadd.s32 @!p0 $0x88, s6;
	s7 =	simm.s32 @p2 $0x1082  }
0x22: {  	[simem:s7], [sflag:s8] =	dma.local @!p0 [hbm:s6], $0xF7A  }
0x23: {  	s9 =	sor.u32 $0xD0000000, s2;
	s6 =	simm.s32 $0x108;
	_ =	swait.ge @!p0 [sflag:s8], $0x0  }
0x24: {  	s3 =	sadd.s32 $0x88, s3;
	s6 =	simm.s32 @!p1 $0x1082;
	[sflag:s4] =	ssyncset.s32 $0xFFFFF086  }
0x25: {  	[simem:s6], [sflag:s4] =	dma.local [hbm:s3], $0xF7A  }
0x26: {  	[smem:$0x3F9E] =	sst s1;
	(tag) =	ssettag s2;
	_ =	strace s9  }
0x27: {  	s1 =	sld [smem:$0x3FAE]  }
0x28: {  	s2 =	sld [smem:$0x3FAF]  }
0x29: {  	s4 =	sld [smem:$0x3FB1]  }
0x2a: {  	p0 =	seq.s32 s5, $0x0;
	s5 =	sld [smem:$0x3FB2]  }
0x2b: {  	s6 =	sld [smem:$0x3FB3]  }
0x2c: {  	s7 =	sld [smem:$0x3FB4]  }
0x2d: {  	s3 =	simm.s32 $0x108;
	s8 =	sld [smem:$0x3FB5]  }
0x2e: {  	s3 =	simm.s32 @!p0 $0x1082;
	s9 =	sld [smem:$0x3FB6]  }
0x2f: {  	lr =	sadd.s32 s0, s3;
	s0 =	sld [smem:$0x3FAD]  }
0x30: {  	s3 =	sld [smem:$0x3FB0]  }
0x31: {  	[smem:$0x3FB9] =	sst s10  }
0x32: {  	s10 =	sld [smem:$0x3FB7];
	_ =	sdelay $0x3  }
0x33: {  	p0 =	seq.s32 s10, $0x1;
	s10 =	sld [smem:$0x3FB9];
	_ =	sdelay $0x3  }
0x34: {  	[smem:$0x3FB9] =	sst s10  }
0x35: {  	s10 =	sld [smem:$0x3FB8];
	_ =	sdelay $0x3  }
0x36: {  	p1 =	seq.s32 s10, $0x1;
	s10 =	sld [smem:$0x3FB9];
	_ =	sdelay $0x3  }
0x37: {  	[smem:$0x3FB9] =	sst s10  }
0x38: {  	s10 =	sld [smem:$0x3FBA]  }
0x39: {  	_ = 	snop;
	(pc) =	sbr.ind lr, $3  }
0x3a: {  	_ = 	snop  }
0x3b: {  	_ = 	snop  }
0x3c: {  	p2 =	seq.s32 s10, $0x1;
	s10 =	sld [smem:$0x3FB9]  }
0x3d: {  	_ =	shalt  }
0x3e: {  	_ =	shalt  }
0x3f: {  	_ =	shalt  }
0x40: {  	_ =	shalt  }
0x41: {  	_ =	shalt  }
0x42: {  	_ =	shalt  }
0x43: {  	_ =	shalt  }
0x44: {  	_ =	shalt  }
0x45: {  	_ =	shalt  }
0x46: {  	_ =	shalt  }
0x47: {  	_ =	shalt  }
0x48: {  	_ =	shalt  }
0x49: {  	_ =	shalt  }
0x4a: {  	_ =	shalt  }
0x4b: {  	_ =	shalt  }
0x4c: {  	_ =	shalt  }
0x4d: {  	_ =	shalt  }
0x4e: {  	_ =	shalt  }
0x4f: {  	_ =	shalt  }
0x50: {  	_ =	shalt  }
0x51: {  	_ =	shalt  }
0x52: {  	_ =	shalt  }
0x53: {  	_ =	shalt  }
0x54: {  	_ =	shalt  }
0x55: {  	_ =	shalt  }
0x56: {  	_ =	shalt  }
0x57: {  	_ =	shalt  }
0x58: {  	_ =	shalt  }
0x59: {  	_ =	shalt  }
0x5a: {  	_ =	shalt  }
0x5b: {  	_ =	shalt  }
0x5c: {  	_ =	shalt  }
0x5d: {  	_ =	shalt  }
0x5e: {  	_ =	shalt  }
0x5f: {  	_ =	shalt  }
0x60: {  	_ =	shalt  }
0x61: {  	_ =	shalt  }
0x62: {  	_ =	shalt  }
0x63: {  	_ =	shalt  }
0x64: {  	_ =	shalt  }
0x65: {  	_ =	shalt  }
0x66: {  	_ =	shalt  }
0x67: {  	_ =	shalt  }
0x68: {  	_ =	shalt  }
0x69: {  	_ =	shalt  }
0x6a: {  	_ =	shalt  }
0x6b: {  	_ =	shalt  }
0x6c: {  	_ =	shalt  }
0x6d: {  	_ =	shalt  }
0x6e: {  	_ =	shalt  }
0x6f: {  	_ =	shalt  }
0x70: {  	_ =	shalt  }
0x71: {  	_ =	shalt  }
0x72: {  	_ =	shalt  }
0x73: {  	_ =	shalt  }
0x74: {  	_ =	shalt  }
0x75: {  	_ =	shalt  }
0x76: {  	_ =	shalt  }
0x77: {  	_ =	shalt  }
0x78: {  	_ =	shalt  }
0x79: {  	_ =	shalt  }
0x7a: {  	_ =	shalt  }
0x7b: {  	_ =	shalt  }
0x7c: {  	_ =	shalt  }
0x7d: {  	_ =	shalt  }
0x7e: {  	_ =	shalt  }
0x7f: {  	_ =	shalt  }
0x80: {  	_ =	shalt  }
0x81: {  	_ =	shalt  }
0x82: {  	_ =	shalt  }
0x83: {  	_ =	shalt  }
0x84: {  	_ =	shalt  }
0x85: {  	_ =	shalt  }
0x86: {  	_ =	shalt  }
0x87: {  	_ =	shalt  }
.Lfunc_end0:
.L_simem_size_0:
called_computation.1_lowered:
.L_overlay_start_0:
0x88: {  	s2 =	sld [smem:$0x3FD9]  }
0x89: {  	s3 =	sld [smem:$0x3FFE];
	_ =	sdelay $0x1  }
0x8a: {  	s1 =	srdreg.scid  }
0x8b: {  	s0 =	sand.u32 $0x1, s1  }
0x8c: {  	s14 =	sshll.u32 s0, $0xA;
	s2 =	sadd.s32 s3, s2  }
0x8d: {  	s2 =	sadd.s32 s2, s14  }
0x8e: {  	[smem:$0x3FC5] =	sst s2  }
0x8f: {  	_ = 	snop  }
0x90: {  	s2 =	sld [smem:$0x3FD0];
	_ =	sdelay $0x2  }
0x91: {  	s4 =	simm.s32 $0xA;
	s5 =	simm.s32 $0x10;
	s15 =	sld [smem:$0x3FC7]  }
0x92: {  	[smem:s5], [sflag:s4] =	dma.local [hbm:s2], $0x1  }
0x93: {  	_ =	swait.eq [sflag:s4], $0x1  }
0x94: {  	[sflag:s4] =	ssyncset.done $0x0  }
0x95: {  	[sflag:s4] =	ssyncadd.s32 $0xFFFFFFFF  }
0x96: {  	s16 =	sld [smem:$0x10];
	(tm) =	ssettm $0x1  }
0x97: {  	s17 =	sld [smem:$0x3FFB];
	_ =	sdelay $0x3  }
0x98: {  	_ =	strace s17  }
0x99: {  	s4 =	sld [smem:$0x3FFC];
	_ =	sdelay $0x3  }
0x9a: {  	_ =	strace s4  }
0x9b: {  	s4 =	sld [smem:$0x3FFD];
	_ =	sdelay $0x3  }
0x9c: {  	_ =	strace s4  }
0x9d: {  	_ =	strace $0x8FFFFFFF  }
0x9e: {  	s18 =	sld [smem:$0x3FDB];
	_ =	sdelay $0x1  }
0x9f: {  	s19 =	simm.s32 $_scs_section_size  }
0xa0: {  	s6 =	simm.s32 $_size__tile_overlayer_lowered;
	s7 =	simm.s32 $_tile_overlayer_lowered  }
0xa1: {  	s22 =	simm.s32 $0x1BFF;
	s21 =	sshll.u32 s7, $0x1;
	s4 =	sadd.s32 s19, s18  }
0xa2: {  	s8 =	simm.s32 $0x0;
	s20 =	sshll.u32 s6, $0x1;
	s6 =	sadd.s32 s21, s4  }
0xa3: {  	[timem:s8], [sflag:s22] =	dma.local [hbm:s6], s20  }
0xa4: {  	_ =	swait.ge [sflag:s22], s20  }
0xa5: {  	s5 =	ssub.s32 $0x0, s20;
	[sflag:s22] =	ssyncset.done $0x0  }
0xa6: {  	[sflag:s22] =	ssyncadd.s32 s5;
	_ =	sdelay $0x1  }
0xa7: {  	s23 =	simm.s32 $0x1B8B  }
0xa8: {  	_ =	swait.ge [sflag:s23], $0x1  }
0xa9: {  	[sflag:s23] =	ssyncset.done $0x0  }
0xaa: {  	s25 =	simm.s32 $0x1B8E;
	s24 =	sld [smem:$0x3FFE];
	[sflag:s23] =	ssyncadd.s32 $0xFFFFFFFF  }
0xab: {  	s26 =	simm.s32 $execute0_lowered;
	[smem:$0x3FD2] =	sst s25  }
0xac: {  	s6 =	sshll.u32 s26, $0x1;
	_ =	strace $0x80000049;
	[dreg:$0x1] =	wrdreg $0xFFFFFFFF  }
0xad: {  	s28 =	simm.s32 $_size_execute0_lowered;
	s4 =	sadd.s32 s4, s6;
	[dreg:$0x0] =	wrdreg $0x0  }
0xae: {  	s6 =	sshll.u32 s28, $0x1;
	[dreg:$0x2] =	wrdreg s4  }
0xaf: {  	[dreg:$0x3] =	wrdreg s6  }
0xb0: {  	[dreg:$0x4] =	wrdreg $0xC0  }
0xb1: {  	_ =	task [dreg:s8], $0x5FFFF  }
0xb2: {  	[dreg:$0x1] =	wrdreg $0xFFFFFFFF  }
0xb3: {  	[dreg:$0x0] =	wrdreg $0x60  }
0xb4: {  	[dreg:$0x2] =	wrdreg s16  }
0xb5: {  	[dreg:$0x3] =	wrdreg s15  }
0xb6: {  	[dreg:$0x4] =	wrdreg s24  }
0xb7: {  	[dreg:$0x5] =	wrdreg $0x9  }
0xb8: {  	_ =	task.clear_ibuf [dreg:s8], $0x6FFFF;
	_ =	strace $0x90000049  }
0xb9: {  	s29 =	simm.s32 $0x9;
	_ =	strace $0x8000004B  }
0xba: {  	_ =	swait.ge [sflag:s29], $0x1  }
0xbb: {  	[sflag:s29] =	ssyncadd.s32 $0xFFFFFFFF  }
0xbc: {  	_ =	strace $0x9000004B  }
0xbd: {  	_ =	sfence  }
0xbe: {  	s30 =	sld [smem:$0x0];
	_ =	sdelay $0x2  }
0xbf: {  	s31 =	sshll.u32 s1, $0xD;
	s1 =	sshrl.u32 s1, $0x2  }
0xc0: {  	s3 =	sand.u32 $0x4000, s31;
	s1 =	sadd.s32 s1, s30  }
0xc1: {  	s0 =	sor.u32 s3, s0;
	s1 =	sshll.u32 s1, $0x11  }
0xc2: {  	s0 =	sor.u32 s1, s0  }
0xc3: {  	s0 =	sadd.s32 $0x8F2B, s0  }
0xc4: {  	[sflag:s0] =	ssyncadd.remote.s32 $0x1  }
0xc5: {  	_ =	sfence.sel $0xFFFF  }
0xc6: {  	[dreg:$0x0] =	wrdreg $0xFFFFFFFF;
	(pc) =	sbr.abs _section_cstart, $3  }
0xc7: {  	[dreg:$0x1] =	wrdreg $0xFFFFFFFF  }
0xc8: {  	_ =	task.clear_ibuf [dreg:s8], $0x2FFFF;
	_ =	strace $0x9FFFFFFF  }
0xc9: {  	(tm) =	ssettm $0x7FFFFFFF  }
tec
execute0_lowered:
.L_overlay_start_1:
0x0: {  	(tag) =	ssettag $0x1  }
0x1: {  	s4 =	rddreg [dreg:$0x0]  }
0x2: {  	s2 =	rddreg [dreg:$0x1]  }
0x3: {  	s5 =	rddreg [dreg:$0x2]  }
0x4: {  	s1 =	stileid.u32;
	s3 =	srdreg.scid  }
0x5: {  	s0 =	rddreg [dreg:$0x3];
	s11 =	simm.s32 $0x0;
	s6 =	sand.u32 $0x1, s3  }
0x6: {  	s7 =	sshll.u32 s1, $0x1;
	s3 =	simm.s32 $0x0;
	s8 =	smul.u32 $0xC400, s1  }
0x7: {  	s7 =	sor.u32 s6, s7;
	s9 =	ssub.s32 $0x2, s6;
	s6 =	smul.u32 $0x6200, s6  }
0x8: {  	[smem:$0x7FF] =	sst s3;
	s7 =	smul.u32 $0x620, s7;
	s10 =	sshrl.u32 s9, $0x1  }
0x9: {  	_ =	strace $0x8000004A;
	s8 =	sadd.s32 s8, s5;
	s31 =	ssub.s32 s9, s10  }
0xa: {  	s6 =	sadd.s32 s6, s8;
	s8 =	simm.s32 $0x70;
	s9 =	simm.s32 $0xE80  }
0xb: {  	s10 =	simm.s32 $0x1;
	s7 =	sshrl.u32 s7, $0x3;
	s5 =	smax.u32 s31, $0x1  }
0xc: {  	s6 =	sadd.s32 $0x1200, s6;
	s4 =	sadd.s32 s4, s7;
	s7 =	simm.s32 $0x2  }
.LBB2_1:
0xd: {  	s12 =	smulhi.u32 $0x24924925, s3  }
0xe: {  	[tilespmem:s3], [sflag:$0x2] =	stream.linear.gather [hbm4b:s4+s3], $0x620, $0x38;
	[tilespmem:$0x4680] =	vst v63  }
0xf: {  	s14 =	smul.u32 $0x25, s3  }
0x10: {  	_ =	swait.ge [sflag:s7], $0x620  }
0x11: {  	s13 =	ssub.s32 $0x0, s12;
	s14 =	sshrl.u32 s14, $0x8;
	[sflag:s7] =	ssyncset.done $0x0  }
0x12: {  	s15 =	sshrl.u32 s13, $0x1;
	s13 =	simm.s32 $0x1;
	s16 =	ssub.s32 $0x0, s14  }
0x13: {  	[sflag:s7] =	ssyncadd.s32 $0xFFFFF9E0;
	s12 =	sadd.s32 s12, s15;
	s16 =	sand.u32 $0xFE, s16  }
0x14: {  	s15 =	smul.u32 $0x25, s13;
	s12 =	sshrl.u32 s12, $0x2;
	s16 =	sshrl.u32 s16, $0x1  }
0x15: {  	v0 =	vld [tilespmem:s3+$0x0];
	s12 =	smul.u32 $0x70, s12;
	s14 =	sadd.s32 s14, s16  }
0x16: {  	s17 =	smulhi.u32 $0x24924925, s13;
	s16 =	simm.s32 $0x2;
	s19 =	sand.u32 $0xFC, s14  }
0x17: {  	s14 =	simm.s32 $0x0;
	s18 =	ssub.s32 $0x0, s12;
	s12 =	simm.s32 $0x0  }
.LBB2_2:
0x18: {  	p0 =	sne.s32 s16, $0x61  }
0x19: {  	s20 =	sand.u32 $0xFFFFFF80, s18;
	s19 =	sshll.u32 s19, $0x5;
	s21 =	ssub.s32 s13, s17  }
0x1a: {  	s18 =	sand.u32 $0x70, s18;
	s14 =	sadd.s32 $0x10, s14;
	vm0 =	vlt.u32 v0, $0x186A0;
	s19 =	sadd.s32 s20, s19  }
0x1b: {  	s20 =	sshrl.u32 s21, $0x1;
	s21 =	sshrl.u32 s15, $0x8;
	v0 =	vnsel vm0, $0x0, v0;
	s15 =	sor.u32 s18, s19  }
.Ltmp0:
0x1c: {  	s17 =	sadd.s32 s17, s20;
	s13 =	ssub.s32 s13, s21;
	[tilespmem:s15+$0x680] =	vst v0;
	(pc) =	sbr.rel @p0 .LBB2_2-.Ltmp0, $4  }
0x1d: {  	s15 =	smul.u32 $0x25, s16;
	s17 =	sshrl.u32 s17, $0x2;
	s13 =	sand.u32 $0xFE, s13;
	v0 =	vld [tilespmem:s14+$0x0]  }
0x1e: {  	s18 =	smul.u32 $0x70, s17;
	s19 =	sshrl.u32 s13, $0x1;
	s13 =	smov.u32 s16  }
0x1f: {  	s12 =	sadd.s32 $0x10, s12;
	s17 =	smulhi.u32 $0x24924925, s16;
	s19 =	sadd.s32 s21, s19  }
0x20: {  	s16 =	sadd.s32 $0x1, s16;
	s18 =	ssub.s32 s12, s18;
	s19 =	sand.u32 $0xFC, s19  }
0x21: {  	s16 =	sand.u32 $0xFFFFFF80, s18;
	s19 =	sshll.u32 s19, $0x5  }
0x22: {  	s20 =	ssub.s32 s13, s17;
	s24 =	sand.u32 $0x70, s18;
	vm0 =	vlt.u32 v0, $0x186A0;
	s16 =	sadd.s32 s16, s19  }
0x23: {  	s15 =	sshrl.u32 s15, $0x8;
	s25 =	sshrl.u32 s20, $0x1;
	v0 =	vnsel vm0, $0x0, v0;
	s16 =	sor.u32 s24, s16  }
0x24: {  	s14 =	sadd.s32 $0x10, s14;
	s28 =	ssub.s32 s13, s15;
	s26 =	sadd.s32 s17, s25;
	[tilespmem:s16+$0x680] =	vst v0  }
0x25: {  	s13 =	sand.u32 $0xFE, s28;
	s29 =	sshrl.u32 s26, $0x2;
	v0 =	vld [tilespmem:s14+$0x0]  }
0x26: {  	s13 =	sshrl.u32 s13, $0x1;
	s30 =	smul.u32 $0x70, s29  }
0x27: {  	s12 =	sadd.s32 $0x10, s12;
	s13 =	sadd.s32 s15, s13  }
0x28: {  	s13 =	sand.u32 $0xFC, s13;
	s12 =	ssub.s32 s12, s30  }
0x29: {  	s13 =	sshll.u32 s13, $0x5;
	s14 =	sand.u32 $0xFFFFFF80, s12  }
0x2a: {  	s12 =	sand.u32 $0x70, s12;
	s13 =	sadd.s32 s14, s13;
	vm15 =	vlt.u32 v0, $0x186A0  }
0x2b: {  	s12 =	sor.u32 s12, s13;
	v0 =	vnsel vm15, $0x0, v0  }
0x2c: {  	s31 =	simm.s32 $0x680;
	[tilespmem:s12+$0x680] =	vst v0  }
0x2d: {  	[tilespmem:s9], [sflag:$0x1] =	stream.indirect.gather [hbm4b:s2+s8], $0x80, s31, s8, $0xb8;
	[tilespmem:$0x4680] =	vst v63  }
0x2e: {  	_ =	swait.ge [sflag:s10], $0x3800  }
0x2f: {  	[sflag:s10] =	ssyncset.done $0x0  }
0x30: {  	[sflag:s10] =	ssyncadd.s32 $0xFFFFC800  }
0x31: {  	[hbm4b:s6+s3] =	stream.linear.scatter [tilespmem:s9], [sflag:$0x2], $0x3800, $0x38;
	[tilespmem:$0x4680] =	vst v63  }
0x32: {  	s14 =	simm.s32 $0x80;
	_ =	swait.ge [sflag:s7], $0x3800  }
0x33: {  	s13 =	simm.s32 $0x400;
	s12 =	sadd.s32 $0x700, s6;
	[sflag:s7] =	ssyncset.done $0x0  }
.LBB2_4:
0x34: {  	s14 =	sadd.s32 $0x680, s14  }
0x35: {  	[sflag:s7] =	ssyncadd.s32 $0xFFFFC800;
	s15 =	smov.u32 s13;
	s16 =	sadd.s32 $0x200, s13  }
0x36: {  	[tilespmem:s9], [sflag:$0x1] =	stream.indirect.gather [hbm4b:s2+s8], $0x80, s14, s8, $0xb8;
	[tilespmem:$0x4680] =	vst v63  }
0x37: {  	p0 =	sne.s32 s13, $0x1A00;
	_ =	swait.ge [sflag:s10], $0x3800  }
.Ltmp1:
0x38: {  	[sflag:s10] =	ssyncset.done $0x0;
	(pc) =	sbr.rel @p0 .LBB2_4-.Ltmp1, $4  }
0x39: {  	[sflag:s10] =	ssyncadd.s32 $0xFFFFC800  }
0x3a: {  	[hbm4b:s12+s3] =	stream.linear.scatter [tilespmem:s9], [sflag:$0x2], $0x3800, $0x38;
	[tilespmem:$0x4680] =	vst v63  }
0x3b: {  	s14 =	sshra.s32 s15, $0x2;
	_ =	swait.ge [sflag:s7], $0x3800  }
0x3c: {  	s13 =	smov.u32 s16;
	s12 =	sadd.s32 $0x700, s12;
	[sflag:s7] =	ssyncset.done $0x0  }
0x3d: {  	s13 =	sadd.s32 $0x680, s14;
	[sflag:s7] =	ssyncadd.s32 $0xFFFFC800  }
0x3e: {  	[tilespmem:s9], [sflag:$0x1] =	stream.indirect.gather [hbm4b:s2+s8], $0x80, s13, s8, $0xb8;
	[tilespmem:$0x4680] =	vst v63  }
0x3f: {  	s11 =	sadd.s32 $0x1, s11;
	_ =	swait.ge [sflag:s10], $0x3800  }
0x40: {  	p0 =	sne.s32 s11, s5;
	[sflag:s10] =	ssyncset.done $0x0  }
.Ltmp2:
0x41: {  	[sflag:s10] =	ssyncadd.s32 $0xFFFFC800;
	(pc) =	sbr.rel @p0 .LBB2_1-.Ltmp2, $4  }
0x42: {  	[hbm4b:s12+s3] =	stream.linear.scatter [tilespmem:s9], [sflag:$0x2], $0x3800, $0x38;
	[tilespmem:$0x4680] =	vst v63  }
0x43: {  	_ =	swait.ge [sflag:s7], $0x3800  }
0x44: {  	[sflag:s7] =	ssyncset.done $0x0  }
0x45: {  	[sflag:s7] =	ssyncadd.s32 $0xFFFFC800  }
0x46: {  	_ =	sfence.sel $0x180000  }
0x47: {  	[bflag:$0x0] =	sbarrier.arrive $0xFFFF  }
0x48: {  	p0 =	sne.s32 s1, $0x0;
	_ =	strace $0x9000004A  }
0x49: {  	s0 =	sadd.s32 @!p0 $0x100000, s0;
	[bflag:$0x2] =	sbarrier.arrive $0xFFFF  }
0x4a: {  	[sflag:s0] =	ssyncadd.tile.s32 @!p0 $0x1;
	_ =	shalt  }
.Lfunc_end2:
_tile_overlayer_lowered:
.L_overlay_start_2:
0x4b: {  	(tag) =	ssettag $0x2  }
0x4c: {  	s0 =	rddreg [dreg:$0x0];
	s2 =	stileid.u32  }
0x4d: {  	s1 =	rddreg [dreg:$0x1];
	p0 =	sne.s32 s2, $0x0  }
0x4e: {  	s3 =	rddreg [dreg:$0x2];
	[bflag:$0x3] =	sbarrier.arrive $0xFFFF;
	s2 =	simm.s32 @!p0 $0x1C02  }
0x4f: {  	[timem:s3], [sflag:s2] =	dma.local @!p0 [hbm:s0], s1  }
0x50: {  	s0 =	simm.s32 @!p0 $0x2  }
0x51: {  	_ =	swait.ge @!p0 [sflag:s0], s1  }
0x52: {  	s1 =	ssub.s32 @!p0 $0x0, s1;
	[sflag:s0] =	ssyncset.done @!p0 $0x0  }
0x53: {  	[sflag:s0] =	ssyncadd.s32 @!p0 s1  }
0x54: {  	[bflag:$0x3] =	sbarrier.arrive $0xFFFF  }
0x55: {  	_ =	shalt  }

// kernel: kernel.7.cloned.1.call-start
scs
__scs_entry_jumppad:
0x0: {  	(pc) =	sbr.rel $0x88, $3  }
0x1: {  	(tag) =	ssettag $0x0;
	lr =	simm.s32 $0x1  }
0x2: {  	[smem:$0x3F9E] =	sst lr;
	_ =	strace $0xD0000000  }
0x3: {  	_ = 	snop  }
0x4: {  	_ = 	snop  }
0x5: {  	_ = 	snop  }
0x6: {  	_ = 	snop  }
0x7: {  	_ = 	snop  }
__scs_overlays_trampoline_lowered:
0x8: {  	[smem:$0x3FAD] =	sst s0  }
0x9: {  	[smem:$0x3FAE] =	sst s1  }
0xa: {  	[smem:$0x3FAF] =	sst s2  }
0xb: {  	[smem:$0x3FB0] =	sst s3  }
0xc: {  	[smem:$0x3FB1] =	sst s4  }
0xd: {  	[smem:$0x3FB2] =	sst s5  }
0xe: {  	[smem:$0x3FB3] =	sst s6  }
0xf: {  	[smem:$0x3FB4] =	sst s7  }
0x10: {  	[smem:$0x3FB5] =	sst s8  }
0x11: {  	[smem:$0x3FB6] =	sst s9;
	s0 =	simm.s32 @!p0 $0x0  }
0x12: {  	s1 =	sld [smem:$0x3F9C];
	s0 =	simm.s32 @p0 $0x1  }
0x13: {  	[smem:$0x3FB7] =	sst s0;
	s0 =	simm.s32 @!p1 $0x0  }
0x14: {  	s2 =	sld [smem:$0x3F9B];
	s0 =	simm.s32 @p1 $0x1  }
0x15: {  	[smem:$0x3FB8] =	sst s0;
	s0 =	simm.s32 @!p2 $0x0  }
0x16: {  	s3 =	sld [smem:$0x3FDB];
	s0 =	simm.s32 @p2 $0x1  }
0x17: {  	s4 =	simm.s32 $0x1BF5;
	[smem:$0x3FBA] =	sst s0  }
0x18: {  	s0 =	sld [smem:$0x3F9D];
	_ =	swait.ge [sflag:s4], $0x0  }
0x19: {  	s7 =	sld [smem:$0x3F9E]  }
0x1a: {  	s8 =	sadd.s32 $0xFFFFE003, lr  }
0x1b: {  	s9 =	sadd.s32 $0xFFFFFEF7, lr;
	s5 =	simm.s32 $0xFFFFFFFF;
	p2 =	slt.u32 s8, $0xFFFFF086  }
0x1c: {  	p1 =	slt.u32 s9, $0xF7A;
	s5 =	simm.s32 @!p2 $0x0  }
0x1d: {  	s5 =	simm.s32 @p1 $0x1;
	p0 =	seq.s32 s7, s2  }
0x1e: {  	s7 =	smul.u32 @!p0 $0xF7A, s2;
	p2 =	seq.s32 @!p0 s5, $0x0  }
0x1f: {  	s9 =	smul.u32 $0xF7A, s1;
	s8 =	simm.s32 @!p0 $0x1BF5;
	p2 =	por !p2, p0  }
0x20: {  	[sflag:s8] =	ssyncset.s32 @!p0 $0xFFFFF086;
	s6 =	sadd.s32 @!p0 s3, s7;
	s7 =	simm.s32 @!p0 $0x108  }
0x21: {  	s3 =	sadd.s32 s3, s9;
	s6 =	sadd.s32 @!p0 $0x88, s6;
	s7 =	simm.s32 @p2 $0x1082  }
0x22: {  	[simem:s7], [sflag:s8] =	dma.local @!p0 [hbm:s6], $0xF7A  }
0x23: {  	s9 =	sor.u32 $0xD0000000, s2;
	s6 =	simm.s32 $0x108;
	_ =	swait.ge @!p0 [sflag:s8], $0x0  }
0x24: {  	s3 =	sadd.s32 $0x88, s3;
	s6 =	simm.s32 @!p1 $0x1082;
	[sflag:s4] =	ssyncset.s32 $0xFFFFF086  }
0x25: {  	[simem:s6], [sflag:s4] =	dma.local [hbm:s3], $0xF7A  }
0x26: {  	[smem:$0x3F9E] =	sst s1;
	(tag) =	ssettag s2;
	_ =	strace s9  }
0x27: {  	s1 =	sld [smem:$0x3FAE]  }
0x28: {  	s2 =	sld [smem:$0x3FAF]  }
0x29: {  	s4 =	sld [smem:$0x3FB1]  }
0x2a: {  	p0 =	seq.s32 s5, $0x0;
	s5 =	sld [smem:$0x3FB2]  }
0x2b: {  	s6 =	sld [smem:$0x3FB3]  }
0x2c: {  	s7 =	sld [smem:$0x3FB4]  }
0x2d: {  	s3 =	simm.s32 $0x108;
	s8 =	sld [smem:$0x3FB5]  }
0x2e: {  	s3 =	simm.s32 @!p0 $0x1082;
	s9 =	sld [smem:$0x3FB6]  }
0x2f: {  	lr =	sadd.s32 s0, s3;
	s0 =	sld [smem:$0x3FAD]  }
0x30: {  	s3 =	sld [smem:$0x3FB0]  }
0x31: {  	[smem:$0x3FB9] =	sst s10  }
0x32: {  	s10 =	sld [smem:$0x3FB7];
	_ =	sdelay $0x3  }
0x33: {  	p0 =	seq.s32 s10, $0x1;
	s10 =	sld [smem:$0x3FB9];
	_ =	sdelay $0x3  }
0x34: {  	[smem:$0x3FB9] =	sst s10  }
0x35: {  	s10 =	sld [smem:$0x3FB8];
	_ =	sdelay $0x3  }
0x36: {  	p1 =	seq.s32 s10, $0x1;
	s10 =	sld [smem:$0x3FB9];
	_ =	sdelay $0x3  }
0x37: {  	[smem:$0x3FB9] =	sst s10  }
0x38: {  	s10 =	sld [smem:$0x3FBA]  }
0x39: {  	_ = 	snop;
	(pc) =	sbr.ind lr, $3  }
0x3a: {  	_ = 	snop  }
0x3b: {  	_ = 	snop  }
0x3c: {  	p2 =	seq.s32 s10, $0x1;
	s10 =	sld [smem:$0x3FB9]  }
0x3d: {  	_ =	shalt  }
0x3e: {  	_ =	shalt  }
0x3f: {  	_ =	shalt  }
0x40: {  	_ =	shalt  }
0x41: {  	_ =	shalt  }
0x42: {  	_ =	shalt  }
0x43: {  	_ =	shalt  }
0x44: {  	_ =	shalt  }
0x45: {  	_ =	shalt  }
0x46: {  	_ =	shalt  }
0x47: {  	_ =	shalt  }
0x48: {  	_ =	shalt  }
0x49: {  	_ =	shalt  }
0x4a: {  	_ =	shalt  }
0x4b: {  	_ =	shalt  }
0x4c: {  	_ =	shalt  }
0x4d: {  	_ =	shalt  }
0x4e: {  	_ =	shalt  }
0x4f: {  	_ =	shalt  }
0x50: {  	_ =	shalt  }
0x51: {  	_ =	shalt  }
0x52: {  	_ =	shalt  }
0x53: {  	_ =	shalt  }
0x54: {  	_ =	shalt  }
0x55: {  	_ =	shalt  }
0x56: {  	_ =	shalt  }
0x57: {  	_ =	shalt  }
0x58: {  	_ =	shalt  }
0x59: {  	_ =	shalt  }
0x5a: {  	_ =	shalt  }
0x5b: {  	_ =	shalt  }
0x5c: {  	_ =	shalt  }
0x5d: {  	_ =	shalt  }
0x5e: {  	_ =	shalt  }
0x5f: {  	_ =	shalt  }
0x60: {  	_ =	shalt  }
0x61: {  	_ =	shalt  }
0x62: {  	_ =	shalt  }
0x63: {  	_ =	shalt  }
0x64: {  	_ =	shalt  }
0x65: {  	_ =	shalt  }
0x66: {  	_ =	shalt  }
0x67: {  	_ =	shalt  }
0x68: {  	_ =	shalt  }
0x69: {  	_ =	shalt  }
0x6a: {  	_ =	shalt  }
0x6b: {  	_ =	shalt  }
0x6c: {  	_ =	shalt  }
0x6d: {  	_ =	shalt  }
0x6e: {  	_ =	shalt  }
0x6f: {  	_ =	shalt  }
0x70: {  	_ =	shalt  }
0x71: {  	_ =	shalt  }
0x72: {  	_ =	shalt  }
0x73: {  	_ =	shalt  }
0x74: {  	_ =	shalt  }
0x75: {  	_ =	shalt  }
0x76: {  	_ =	shalt  }
0x77: {  	_ =	shalt  }
0x78: {  	_ =	shalt  }
0x79: {  	_ =	shalt  }
0x7a: {  	_ =	shalt  }
0x7b: {  	_ =	shalt  }
0x7c: {  	_ =	shalt  }
0x7d: {  	_ =	shalt  }
0x7e: {  	_ =	shalt  }
0x7f: {  	_ =	shalt  }
0x80: {  	_ =	shalt  }
0x81: {  	_ =	shalt  }
0x82: {  	_ =	shalt  }
0x83: {  	_ =	shalt  }
0x84: {  	_ =	shalt  }
0x85: {  	_ =	shalt  }
0x86: {  	_ =	shalt  }
0x87: {  	_ =	shalt  }
.Lfunc_end0:
.L_simem_size_0:
called_computation_lowered:
.L_overlay_start_0:
0x88: {  	s2 =	sld [smem:$0x3FD9]  }
0x89: {  	s3 =	sld [smem:$0x3FFE];
	_ =	sdelay $0x1  }
0x8a: {  	s1 =	srdreg.scid  }
0x8b: {  	s0 =	sand.u32 $0x1, s1  }
0x8c: {  	s14 =	sshll.u32 s0, $0xA;
	s2 =	sadd.s32 s3, s2  }
0x8d: {  	s2 =	sadd.s32 s2, s14  }
0x8e: {  	[smem:$0x3FC5] =	sst s2  }
0x8f: {  	_ = 	snop  }
0x90: {  	s2 =	sld [smem:$0x3FD0];
	_ =	sdelay $0x2  }
0x91: {  	s4 =	simm.s32 $0xA;
	s5 =	simm.s32 $0x10;
	s15 =	sld [smem:$0x3FC8]  }
0x92: {  	[smem:s5], [sflag:s4] =	dma.local [hbm:s2], $0x1  }
0x93: {  	_ =	swait.eq [sflag:s4], $0x1  }
0x94: {  	[sflag:s4] =	ssyncset.done $0x0  }
0x95: {  	s16 =	sld [smem:$0x10];
	[sflag:s4] =	ssyncadd.s32 $0xFFFFFFFF  }
0x96: {  	s17 =	sld [smem:$0x11];
	(tm) =	ssettm $0x1  }
0x97: {  	s18 =	sld [smem:$0x3FFB];
	_ =	sdelay $0x3  }
0x98: {  	_ =	strace s18  }
0x99: {  	s5 =	sld [smem:$0x3FFC];
	_ =	sdelay $0x3  }
0x9a: {  	_ =	strace s5  }
0x9b: {  	s5 =	sld [smem:$0x3FFD];
	_ =	sdelay $0x3  }
0x9c: {  	_ =	strace s5  }
0x9d: {  	_ =	strace $0x8FFFFFFF  }
0x9e: {  	s19 =	sld [smem:$0x3FDB];
	_ =	sdelay $0x1  }
0x9f: {  	s6 =	simm.s32 $_scs_section_size  }
0xa0: {  	s7 =	simm.s32 $_size__tile_overlayer_lowered;
	s8 =	simm.s32 $_tile_overlayer_lowered  }
0xa1: {  	s22 =	simm.s32 $0x1BFF;
	s21 =	sshll.u32 s8, $0x1;
	s5 =	sadd.s32 s6, s19  }
0xa2: {  	s9 =	simm.s32 $0x0;
	s20 =	sshll.u32 s7, $0x1;
	s7 =	sadd.s32 s21, s5  }
0xa3: {  	[timem:s9], [sflag:s22] =	dma.local [hbm:s7], s20  }
0xa4: {  	_ =	swait.ge [sflag:s22], s20  }
0xa5: {  	s6 =	ssub.s32 $0x0, s20;
	[sflag:s22] =	ssyncset.done $0x0  }
0xa6: {  	[sflag:s22] =	ssyncadd.s32 s6;
	_ =	sdelay $0x1  }
0xa7: {  	s23 =	simm.s32 $0x1B8B  }
0xa8: {  	_ =	swait.ge [sflag:s23], $0x1  }
0xa9: {  	[sflag:s23] =	ssyncset.done $0x0  }
0xaa: {  	s25 =	simm.s32 $0x1B8E;
	s24 =	sld [smem:$0x3FFE];
	[sflag:s23] =	ssyncadd.s32 $0xFFFFFFFF  }
0xab: {  	s26 =	simm.s32 $execute0_lowered;
	[smem:$0x3FD2] =	sst s25  }
0xac: {  	s7 =	sshll.u32 s26, $0x1;
	_ =	strace $0x80000046;
	[dreg:$0x1] =	wrdreg $0xFFFFFFFF  }
0xad: {  	s28 =	simm.s32 $_size_execute0_lowered;
	s5 =	sadd.s32 s5, s7;
	[dreg:$0x0] =	wrdreg $0x0  }
0xae: {  	s7 =	sshll.u32 s28, $0x1;
	[dreg:$0x2] =	wrdreg s5  }
0xaf: {  	[dreg:$0x3] =	wrdreg s7  }
0xb0: {  	[dreg:$0x4] =	wrdreg $0xC0  }
0xb1: {  	_ =	task [dreg:s9], $0x5FFFF  }
0xb2: {  	[dreg:$0x1] =	wrdreg $0xFFFFFFFF  }
0xb3: {  	[dreg:$0x0] =	wrdreg $0x60  }
0xb4: {  	[dreg:$0x2] =	wrdreg s24  }
0xb5: {  	[dreg:$0x3] =	wrdreg s15  }
0xb6: {  	[dreg:$0x4] =	wrdreg s16  }
0xb7: {  	[dreg:$0x5] =	wrdreg s17  }
0xb8: {  	[dreg:$0x6] =	wrdreg $0x9  }
0xb9: {  	_ =	task.clear_ibuf [dreg:s9], $0x7FFFF;
	_ =	strace $0x90000046  }
0xba: {  	s29 =	simm.s32 $0x9;
	_ =	strace $0x80000048  }
0xbb: {  	_ =	swait.ge [sflag:s29], $0x1  }
0xbc: {  	[sflag:s29] =	ssyncadd.s32 $0xFFFFFFFF  }
0xbd: {  	_ =	strace $0x90000048  }
0xbe: {  	_ =	sfence  }
0xbf: {  	s30 =	sld [smem:$0x0];
	_ =	sdelay $0x2  }
0xc0: {  	s31 =	sshll.u32 s1, $0xD;
	s1 =	sshrl.u32 s1, $0x2  }
0xc1: {  	s3 =	sand.u32 $0x4000, s31;
	s1 =	sadd.s32 s1, s30  }
0xc2: {  	s0 =	sor.u32 s3, s0;
	s1 =	sshll.u32 s1, $0x11  }
0xc3: {  	s0 =	sor.u32 s1, s0  }
0xc4: {  	s0 =	sadd.s32 $0x8F2B, s0  }
0xc5: {  	[sflag:s0] =	ssyncadd.remote.s32 $0x1  }
0xc6: {  	_ =	sfence.sel $0xFFFF  }
0xc7: {  	[dreg:$0x0] =	wrdreg $0xFFFFFFFF;
	(pc) =	sbr.abs _section_cstart, $3  }
0xc8: {  	[dreg:$0x1] =	wrdreg $0xFFFFFFFF  }
0xc9: {  	_ =	task.clear_ibuf [dreg:s9], $0x2FFFF;
	_ =	strace $0x9FFFFFFF  }
0xca: {  	(tm) =	ssettm $0x7FFFFFFF  }
0xcb: {  	_ =	shalt  }
tec
execute0_lowered:
.L_overlay_start_1:
0x0: {  	(tag) =	ssettag $0x1  }
0x1: {  	s4 =	rddreg [dreg:$0x0]  }
0x2: {  	s7 =	rddreg [dreg:$0x1]  }
0x3: {  	s1 =	srdreg.scid;
	s2 =	rddreg [dreg:$0x2]  }
0x4: {  	s0 =	stileid.u32;
	s9 =	rddreg [dreg:$0x3]  }
0x5: {  	s3 =	simm.s32 $0x0;
	s14 =	simm.s32 $0x2580;
	s15 =	simm.s32 $0x1  }
0x6: {  	s16 =	simm.s32 $0x3200;
	s17 =	simm.s32 $0x80;
	s18 =	simm.s32 $0x3280  }
0x7: {  	s19 =	simm.s32 $0x2;
	s6 =	sand.u32 $0x1, s1;
	s1 =	rddreg [dreg:$0x4]  }
0x8: {  	s20 =	simm.s32 $0x0;
	s29 =	sshll.u32 s0, $0x1;
	[smem:$0x7FF] =	sst s3  }
0x9: {  	s13 =	smul.u32 $0x1900, s0;
	s8 =	sor.u32 s6, s29;
	s30 =	ssub.s32 $0x2, s6  }
0xa: {  	_ =	strace $0x80000047;
	s5 =	smul.u32 $0xC80, s8;
	s12 =	sshrl.u32 s30, $0x1  }
0xb: {  	s31 =	smul.u32 $0xC80, s6;
	s8 =	sshll.u32 s8, $0x4;
	s12 =	ssub.s32 s30, s12  }
0xc: {  	s7 =	sadd.s32 s7, s8;
	s8 =	sadd.s32 s9, s8;
	s10 =	sshrl.u32 s5, $0x3  }
0xd: {  	s9 =	smax.u32 s12, $0x1;
	s11 =	sadd.s32 s10, s4;
	s4 =	sadd.s32 $0x4400, s4  }
0xe: {  	v0 =	vlaneseq.u32;
	s12 =	simm.s32 $0xC80;
	s5 =	sadd.s32 $0x1200, s11;
	s6 =	sadd.s32 s4, s10  }
0xf: {  	v1 =	vor.u32 $0xD080, v0;
	s10 =	sadd.s32 s31, s13;
	s11 =	simm.s32 $0x3;
	s13 =	simm.s32 $0x1900  }
.LBB2_1:
0x10: {  	[tilespmem:s3], [sflag:$0x3] =	stream.linear.gather [hbm4b:s5+s3], $0xC80, $0x38;
	[tilespmem:$0x3300] =	vst v63  }
0x11: {  	_ =	swait.ge [sflag:s11], $0xC80  }
0x12: {  	[sflag:s11] =	ssyncset.done $0x0  }
0x13: {  	[sflag:s11] =	ssyncadd.s32 $0xFFFFF380  }
0x14: {  	[tilespmem:s12], [sflag:$0x3] =	stream.linear.gather [hbm4b:s6+s3], $0xC80, $0x38;
	[tilespmem:$0x3300] =	vst v63  }
0x15: {  	_ =	swait.ge [sflag:s11], $0xC80  }
0x16: {  	[sflag:s11] =	ssyncset.done $0x0  }
0x17: {  	s21 =	simm.s32 $0x0;
	[sflag:s11] =	ssyncadd.s32 $0xFFFFF380  }
0x18: {  	v2 =	vld [tilespmem:s21+$0x0]  }
0x19: {  	v3 =	vld [tilespmem:s21+$0xC80];
	_ =	sdelay $0x2  }
0x1a: {  	s23 =	simm.s32 $0x40;
	s22 =	smov.u32 s10  }
.LBB2_2:
0x1b: {  	s24 =	sshra.s32 s23, $0x2;
	p0 =	sne.s32 s23, $0x31C0;
	s23 =	sadd.s32 $0x40, s23;
	v4 =	vor.u32 s22, v0;
	vm0 =	vgt.s32 v2, $0x0;
	v5 =	vadd.s32 s22, v1  }
.Ltmp0:
0x1c: {  	v2 =	vld [tilespmem:s24+$0x0];
	v5 =	vsel vm0, v3, v5;
	[tilespmem:s21+$0x2580] =	vst v4;
	(pc) =	sbr.rel @p0 .LBB2_2-.Ltmp0, $2  }
0x1d: {  	v3 =	vld [tilespmem:s24+$0xC80];
	[tilespmem:s21+$0x1900] =	vst v5;
	s21 =	smov.u32 s24;
	_ =	sdelay $0x2  }
0x1e: {  	s22 =	sadd.s32 $0x10, s22  }
0x1f: {  	v4 =	vor.u32 s22, v0;
	vm0 =	vgt.s32 v2, $0x0;
	v2 =	vadd.s32 s22, v1  }
0x20: {  	v2 =	vsel vm0, v3, v2;
	[tilespmem:s21+$0x2580] =	vst v4  }
0x21: {  	[tilespmem:s21+$0x1900] =	vst v2  }
0x22: {  	[hbm4b:s2+s12] =	stream.indirect.scatter [tilespmem:s14], [sflag:$0x1], $0x1, s13, s12, $0xb8;
	[tilespmem:$0x3300] =	vst v63  }
0x23: {  	_ =	swait.ge [sflag:s15], $0xC80  }
0x24: {  	[sflag:s15] =	ssyncset.done $0x0  }
0x25: {  	[sflag:s15] =	ssyncadd.s32 $0xFFFFF380  }
0x26: {  	[tilespmem:s16], [sflag:$0x3] =	stream.linear.gather [hbm4b:s7+s3], $0x80, $0x38;
	[tilespmem:$0x3300] =	vst v63  }
0x27: {  	_ =	swait.ge [sflag:s11], $0x80  }
0x28: {  	[sflag:s11] =	ssyncset.done $0x0  }
0x29: {  	[sflag:s11] =	ssyncadd.s32 $0xFFFFFF80  }
0x2a: {  	[tilespmem:s18], [sflag:$0x2] =	stream.indirect.gather [hbm4b:s4+s17], $0x1, s16, s17, $0xb8;
	[tilespmem:$0x3300] =	vst v63  }
0x2b: {  	s20 =	sadd.s32 $0x1, s20;
	_ =	swait.ge [sflag:s19], $0x80  }
0x2c: {  	p0 =	sne.s32 s20, s9;
	[sflag:s19] =	ssyncset.done $0x0  }
.Ltmp1:
0x2d: {  	[sflag:s19] =	ssyncadd.s32 $0xFFFFFF80;
	(pc) =	sbr.rel @p0 .LBB2_1-.Ltmp1, $4  }
0x2e: {  	[hbm4b:s8+s3] =	stream.linear.scatter [tilespmem:s18], [sflag:$0x3], $0x80, $0x38;
	[tilespmem:$0x3300] =	vst v63  }
0x2f: {  	_ =	swait.ge [sflag:s11], $0x80  }
0x30: {  	[sflag:s11] =	ssyncset.done $0x0  }
0x31: {  	[sflag:s11] =	ssyncadd.s32 $0xFFFFFF80  }
0x32: {  	_ =	sfence.sel $0x180000  }
0x33: {  	[bflag:$0x0] =	sbarrier.arrive $0xFFFF  }
0x34: {  	p0 =	sne.s32 s0, $0x0;
	_ =	strace $0x90000047  }
0x35: {  	s0 =	sadd.s32 @!p0 $0x100000, s1;
	[bflag:$0x2] =	sbarrier.arrive $0xFFFF  }
0x36: {  	[sflag:s0] =	ssyncadd.tile.s32 @!p0 $0x1;
	_ =	shalt  }
.Lfunc_end2:
_tile_overlayer_lowered:
.L_overlay_start_2:
0x37: {  	(tag) =	ssettag $0x2  }
0x38: {  	s0 =	rddreg [dreg:$0x0];
	s2 =	stileid.u32  }
0x39: {  	s1 =	rddreg [dreg:$0x1];
	p0 =	sne.s32 s2, $0x0  }
0x3a: {  	s3 =	rddreg [dreg:$0x2];
	[bflag:$0x3] =	sbarrier.arrive $0xFFFF;
	s2 =	simm.s32 @!p0 $0x1C03  }
0x3b: {  	[timem:s3], [sflag:s2] =	dma.local @!p0 [hbm:s0], s1  }
0x3c: {  	s0 =	simm.s32 @!p0 $0x3  }
0x3d: {  	_ =	swait.ge @!p0 [sflag:s0], s1  }
0x3e: {  	s1 =	ssub.s32 @!p0 $0x0, s1;
	[sflag:s0] =	ssyncset.done @!p0 $0x0  }
0x3f: {  	[sflag:s0] =	ssyncadd.s32 @!p0 s1  }
0x40: {  	[bflag:$0x3] =	sbarrier.arrive $0xFFFF  }
0x41: {  	_ =	shalt  }

</sc_bundles>
